<compile_context>
chip_gen: v7x
topology: tpu7x:2x2x1
jax: 0.10.2.dev20260603
libtpu: 0.0.44.dev20260713+nightly
codegen_flags: <defaults>
</compile_context>

<pallas_src>
import functools
import math

import jax
import jax.numpy as jnp
from jax import lax
from jax.experimental import pallas as pl
from jax.experimental.pallas import tpu as pltpu
from jax.experimental.pallas import tpu_sc as plsc

N_REF = 8192
N_PRED = 8192
C = 512
K = 8
B = 256
NBQ = N_PRED // B
SCALE = 1.0 / math.sqrt(C)

SC_NC = 2
SC_NS = 16
SC_NW = SC_NC * SC_NS
GCH = 64


def _knn_body(xp2_ref, xr2_ref, xpb_ref, xrb_ref, idx_ref):
    dot = lax.dot_general(xpb_ref[...], xrb_ref[...],
                          (((1,), (1,)), ((), ())),
                          preferred_element_type=jnp.float32)
    d = (xp2_ref[...] - 2.0 * dot) + xr2_ref[...]
    col = lax.broadcasted_iota(jnp.int32, (B, N_REF), 1).astype(jnp.float32)
    picks = []
    for _ in range(K):
        m = jnp.min(d, axis=1, keepdims=True)
        t = jnp.where(d == m, col, jnp.float32(N_REF))
        sel = jnp.min(t, axis=1, keepdims=True)
        picks.append(sel)
        d = jnp.where(t == sel, jnp.inf, d)
    idx_ref[...] = jnp.concatenate(picks, axis=1).astype(jnp.int32)


def _combine_body(wv_ref, wo_ref, wout_ref, bv_ref, bo_ref, bout_ref,
                  m_ref, c_ref):
    a = jnp.dot(wo_ref[...], wv_ref[...],
                preferred_element_type=jnp.float32)
    m_ref[...] = lax.dot_general(a, wout_ref[...], (((0,), (0,)), ((), ())),
                                 preferred_element_type=jnp.float32)
    cb = lax.dot_general(bv_ref[...], wo_ref[...], (((1,), (1,)), ((), ())),
                         preferred_element_type=jnp.float32) + bo_ref[...]
    c_ref[...] = jnp.dot(cb, wout_ref[...],
                         preferred_element_type=jnp.float32) + bout_ref[...]


def _attn_body(q_ref, kg_ref, sg_ref, m_ref, c_ref, bout_ref, out_ref):
    pid = pl.program_id(0)

    @pl.when(pid < NBQ)
    def _():
        out_ref[...] = jnp.broadcast_to(bout_ref[...], (B, 2 * C))

    @pl.when(pid >= NBQ)
    def _():
        q = q_ref[...]
        kg = kg_ref[...].reshape(B, K, C)
        sg = sg_ref[...].reshape(B, K, C)
        s = jnp.sum(q[:, None, :] * kg, axis=2) * SCALE
        mx = jnp.max(s, axis=1, keepdims=True)
        e = jnp.exp(s - mx)
        a = e / jnp.sum(e, axis=1, keepdims=True)
        osum = jnp.sum(a[:, :, None] * sg, axis=1)
        out_ref[...] = jnp.dot(osum, m_ref[...],
                               preferred_element_type=jnp.float32) + c_ref[...]


def _sc_gather(fc, fs, idxf):
    n_idx = idxf.shape[0]
    b_per_w = n_idx // SC_NW
    n_ch = b_per_w // GCH
    mesh = plsc.VectorSubcoreMesh(core_axis_name="c", subcore_axis_name="s")

    @functools.partial(
        pl.kernel, mesh=mesh,
        out_type=[jax.ShapeDtypeStruct((n_idx, C), jnp.float32),
                  jax.ShapeDtypeStruct((n_idx, C), jnp.float32)],
        scratch_types=[pltpu.VMEM((GCH,), jnp.int32),
                       pltpu.VMEM((GCH, C), jnp.float32),
                       pltpu.VMEM((GCH, C), jnp.float32),
                       pltpu.SemaphoreType.DMA,
                       pltpu.SemaphoreType.DMA],
    )
    def gather_k(fc_hbm, fs_hbm, idx_hbm, kg_hbm, sg_hbm,
                 idx_v, rows_a, rows_b, sem_a, sem_b):
        wid = lax.axis_index("s") * SC_NC + lax.axis_index("c")

        def body(t, carry):
            base = wid * b_per_w + t * GCH
            pltpu.sync_copy(idx_hbm.at[pl.ds(base, GCH)], idx_v)
            ca = pltpu.async_copy(fc_hbm.at[idx_v], rows_a, sem_a)
            cb = pltpu.async_copy(fs_hbm.at[idx_v], rows_b, sem_b)
            ca.wait()
            pltpu.sync_copy(rows_a, kg_hbm.at[pl.ds(base, GCH)])
            cb.wait()
            pltpu.sync_copy(rows_b, sg_hbm.at[pl.ds(base, GCH)])
            return carry

        lax.fori_loop(0, n_ch, body, 0)

    return gather_k(fc, fs, idxf)


def kernel(xyz_ref, xyz_pred, feat_coor_ref, feat_coor_pred, feat_sp_ref,
           W_v, b_v, W_o, b_o, W_out, b_out):
    idx = pl.pallas_call(
        _knn_body,
        grid=(NBQ,),
        in_specs=[pl.BlockSpec((B, 1), lambda i: (i, 0)),
                  pl.BlockSpec((1, N_REF), lambda i: (0, 0)),
                  pl.BlockSpec((B, 3), lambda i: (i, 0)),
                  pl.BlockSpec((N_REF, 3), lambda i: (0, 0))],
        out_specs=pl.BlockSpec((B, K), lambda i: (i, 0)),
        out_shape=jax.ShapeDtypeStruct((N_PRED, K), jnp.int32),
    )(jnp.sum(xyz_pred ** 2, axis=1, keepdims=True),
      jnp.sum(xyz_ref ** 2, axis=1)[None, :],
      xyz_pred.astype(jnp.bfloat16), xyz_ref.astype(jnp.bfloat16))

    kg, sg = _sc_gather(feat_coor_ref, feat_sp_ref, idx.reshape(-1))

    m, c = pl.pallas_call(
        _combine_body,
        out_shape=(jax.ShapeDtypeStruct((C, 2 * C), jnp.float32),
                   jax.ShapeDtypeStruct((1, 2 * C), jnp.float32)),
    )(W_v, W_o, W_out, b_v.reshape(1, C), b_o.reshape(1, C),
      b_out.reshape(1, 2 * C))

    out = pl.pallas_call(
        _attn_body,
        grid=(2 * NBQ,),
        in_specs=[
            pl.BlockSpec((B, C), lambda i: (jnp.maximum(i - NBQ, 0), 0)),
            pl.BlockSpec((B * K, C), lambda i: (jnp.maximum(i - NBQ, 0), 0)),
            pl.BlockSpec((B * K, C), lambda i: (jnp.maximum(i - NBQ, 0), 0)),
            pl.BlockSpec((C, 2 * C), lambda i: (0, 0)),
            pl.BlockSpec((1, 2 * C), lambda i: (0, 0)),
            pl.BlockSpec((1, 2 * C), lambda i: (0, 0)),
        ],
        out_specs=pl.BlockSpec((B, 2 * C), lambda i: (i, 0)),
        out_shape=jax.ShapeDtypeStruct((N_REF + N_PRED, 2 * C), jnp.float32),
    )(feat_coor_pred, kg, sg, m, c, b_out.reshape(1, 2 * C))
    return out

# --- scband reference (transcript-rebuilt; emitter-appended) ---
"""Pipeline reference for scband-cross-attn-5763846111578 (READ-ONLY COPY).

The authoritative reference and input builder live on the scoring server;
editing this copy changes nothing except your own understanding.
"""

import jax, jax.numpy as jnp
import numpy as np
import math

N_REF = 8192
N_PRED = 8192
C = 512
K = 8


def setup_inputs(seed: int = 0) -> dict:
    key = jax.random.key(seed)
    ks = jax.random.split(key, 12)
    xyz_ref = jax.random.uniform(ks[0], (N_REF, 3), dtype=jnp.float32) * 100.0
    xyz_pred = jax.random.uniform(ks[1], (N_PRED, 3), dtype=jnp.float32) * 100.0
    feat_coor_ref = jax.random.normal(ks[2], (N_REF, C), dtype=jnp.float32)
    feat_coor_pred = jax.random.normal(ks[3], (N_PRED, C), dtype=jnp.float32)
    feat_sp_ref = jax.random.normal(ks[4], (N_REF, C), dtype=jnp.float32)
    # learned params (1x1 convs == linear layers)
    W_v = jax.random.normal(ks[5], (C, C), dtype=jnp.float32) * 0.02
    b_v = jnp.zeros((C,), dtype=jnp.float32)
    W_o = jax.random.normal(ks[6], (C, C), dtype=jnp.float32) * 0.02
    b_o = jnp.zeros((C,), dtype=jnp.float32)
    W_out = jax.random.normal(ks[7], (C, 2 * C), dtype=jnp.float32) * 0.02
    b_out = jnp.zeros((2 * C,), dtype=jnp.float32)
    return {
        "xyz_ref": xyz_ref,
        "xyz_pred": xyz_pred,
        "feat_coor_ref": feat_coor_ref,
        "feat_coor_pred": feat_coor_pred,
        "feat_sp_ref": feat_sp_ref,
        "W_v": W_v,
        "b_v": b_v,
        "W_o": W_o,
        "b_o": b_o,
        "W_out": W_out,
        "b_out": b_out,
    }


def reference(xyz_ref, xyz_pred, feat_coor_ref, feat_coor_pred, feat_sp_ref,
              W_v, b_v, W_o, b_o, W_out, b_out):
    # --- KNN (no_grad in original): brute-force squared distances pred->ref ---
    d2 = (jnp.sum(xyz_pred ** 2, axis=1, keepdims=True)
          - 2.0 * (xyz_pred @ xyz_ref.T)
          + jnp.sum(xyz_ref ** 2, axis=1)[None, :])  # [N_pred, N_ref]
    _, idx = jax.lax.top_k(-d2, K)  # [N_pred, K] indices of k nearest refs

    # --- queries / keys ---
    q = feat_coor_pred[:, None, :]           # [N_pred, 1, C]
    k = jnp.take(feat_coor_ref, idx, axis=0)  # [N_pred, K, C]

    # --- values: W_v (1x1 conv) on ref spinput features, then gather ---
    v_raw = feat_sp_ref @ W_v.T + b_v        # [N_ref, C]
    v = jnp.take(v_raw, idx, axis=0)         # [N_pred, K, C]

    # --- attention ---
    attn = jnp.einsum('nqc,nkc->nqk', q, k) / math.sqrt(C)
    attn = jax.nn.softmax(attn, axis=-1)     # [N_pred, 1, K]
    out = jnp.einsum('nqk,nkc->nqc', attn, v)[:, 0, :]  # [N_pred, C]

    # --- W_o (1x1 conv) ---
    out = out @ W_o.T + b_o                  # [N_pred, C]

    # --- scatter back: ref rows get zeros, pred rows get out (ref-first layout) ---
    out_all = jnp.concatenate(
        [jnp.zeros((N_REF, C), dtype=out.dtype), out], axis=0)  # [N_ref+N_pred, C]

    # --- W_out: Minkowski 1x1 conv chann -> 2*chann over all points ---
    spoutput = out_all @ W_out + b_out       # [N_ref+N_pred, 2C]
    return spoutput

if __name__ == "__main__":
    import jax
    _d = setup_inputs()
    print(jax.jit(kernel)(*tuple(_d.values())))

</pallas_src>

<mosaic_0001>
#map = affine_map<(d0, d1) -> (0, 0)>
#map1 = affine_map<(d0, d1) -> (0)>
module attributes {stable_mosaic.version = 14 : i64} {
  func.func @gather_k(%arg0: i32, %arg1: i32, %arg2: memref<8192x512xf32, #tpu.memory_space<hbm>>, %arg3: memref<8192x512xf32, #tpu.memory_space<hbm>>, %arg4: memref<65536xi32, #tpu.memory_space<hbm>>, %arg5: memref<65536x512xf32, #tpu.memory_space<hbm>>, %arg6: memref<65536x512xf32, #tpu.memory_space<hbm>>, %arg7: memref<64xi32, #tpu.memory_space<vmem>>, %arg8: memref<64x512xf32, #tpu.memory_space<vmem>>, %arg9: memref<64x512xf32, #tpu.memory_space<vmem>>, %arg10: memref<!tpu.dma_semaphore, #tpu.memory_space<semaphore_mem>>, %arg11: memref<!tpu.dma_semaphore, #tpu.memory_space<semaphore_mem>>) attributes {dimension_semantics = [#tpu.dimension_semantics<core_parallel>, #tpu.dimension_semantics<subcore_parallel>], iteration_bounds = array<i64: 2, 16>, scalar_prefetch = 0 : i64, scratch_operands = 5 : i64, tpu.core_type = #tpu.core_type<sc_vector_subcore>, window_params = [{transform_indices = #map}, {transform_indices = #map}, {transform_indices = #map1}, {transform_indices = #map}, {transform_indices = #map}]} {
    %mul3A = arith.constant 2 : i32
    %mul3A_0 = arith.muli %arg1, %mul3A : i32
    %add3A = arith.addi %mul3A_0, %arg0 : i32
    %scan3A = arith.constant 0 : i32
    %scan3A_1 = arith.constant 0 : i32
    %scan3A_2 = arith.constant 32 : i32
    %scan3A_3 = arith.addi %scan3A_1, %scan3A_2 : i32
    %scan3A_4 = arith.constant 1 : i32
    scf.for %scan3A_6 = %scan3A_1 to %scan3A_3 step %scan3A_4  : i32 {
      %mul3A_7 = arith.constant 2048 : i32
      %mul3A_8 = arith.muli %add3A, %mul3A_7 : i32
      %mul3A_9 = arith.constant 64 : i32
      %mul3A_10 = arith.muli %scan3A_6, %mul3A_9 : i32
      %add3A_11 = arith.addi %mul3A_8, %mul3A_10 : i32
      "tpu.region"() ({
        %run_scoped3A = tpu.sem_alloc : memref<!tpu.dma_semaphore, #tpu.memory_space<semaphore_mem>>
        %dma_start3A_22 = tpu.memref_slice %arg4[%add3A_11] : memref<65536xi32, #tpu.memory_space<hbm>> -> memref<64xi32, #tpu.memory_space<hbm>>
        %dma_start3A_23 = tpu.memref_slice %arg4[%add3A_11] : memref<65536xi32, #tpu.memory_space<hbm>> -> memref<64xi32, #tpu.memory_space<hbm>>
        tpu.enqueue_dma source(%dma_start3A_23 : memref<64xi32, #tpu.memory_space<hbm>>) target(%arg7 : memref<64xi32, #tpu.memory_space<vmem>>) target_semaphore(%run_scoped3A : memref<!tpu.dma_semaphore, #tpu.memory_space<semaphore_mem>>)
        %dma_wait3A_24 = tpu.memref_slice %arg4[%add3A_11] : memref<65536xi32, #tpu.memory_space<hbm>> -> memref<64xi32, #tpu.memory_space<hbm>>
        %dma_wait3A_25 = tpu.memref_slice %arg4[%add3A_11] : memref<65536xi32, #tpu.memory_space<hbm>> -> memref<64xi32, #tpu.memory_space<hbm>>
        tpu.wait_dma2 semaphore(%run_scoped3A : memref<!tpu.dma_semaphore, #tpu.memory_space<semaphore_mem>>) src(%dma_wait3A_25 : memref<64xi32, #tpu.memory_space<hbm>>) dst(%arg7 : memref<64xi32, #tpu.memory_space<vmem>>)
        tpu.yield
      }) : () -> ()
      %dma_start3A = arith.constant 0 : i32
      %dma_start3A_12 = arith.constant 0 : i32
      %dma_start3A_13 = tpu.memref_slice %arg2[%dma_start3A, %dma_start3A_12] : memref<8192x512xf32, #tpu.memory_space<hbm>> -> memref<8192x512xf32, #tpu.memory_space<hbm>>
      tpu.enqueue_indirect_dma source(%dma_start3A_13 : memref<8192x512xf32, #tpu.memory_space<hbm>>) target(%arg8 : memref<64x512xf32, #tpu.memory_space<vmem>>) offsets(%arg7 : memref<64xi32, #tpu.memory_space<vmem>>) semaphore(%arg10 : memref<!tpu.dma_semaphore, #tpu.memory_space<semaphore_mem>>)
      %dma_start3A_14 = arith.constant 0 : i32
      %dma_start3A_15 = arith.constant 0 : i32
      %dma_start3A_16 = tpu.memref_slice %arg3[%dma_start3A_14, %dma_start3A_15] : memref<8192x512xf32, #tpu.memory_space<hbm>> -> memref<8192x512xf32, #tpu.memory_space<hbm>>
      tpu.enqueue_indirect_dma source(%dma_start3A_16 : memref<8192x512xf32, #tpu.memory_space<hbm>>) target(%arg9 : memref<64x512xf32, #tpu.memory_space<vmem>>) offsets(%arg7 : memref<64xi32, #tpu.memory_space<vmem>>) semaphore(%arg11 : memref<!tpu.dma_semaphore, #tpu.memory_space<semaphore_mem>>)
      %dma_wait3A = arith.constant 0 : i32
      %dma_wait3A_17 = arith.constant 0 : i32
      %dma_wait3A_18 = tpu.memref_slice %arg2[%dma_wait3A, %dma_wait3A_17] : memref<8192x512xf32, #tpu.memory_space<hbm>> -> memref<8192x512xf32, #tpu.memory_space<hbm>>
      tpu.wait_indirect_dma semaphore(%arg10 : memref<!tpu.dma_semaphore, #tpu.memory_space<semaphore_mem>>) src(%dma_wait3A_18 : memref<8192x512xf32, #tpu.memory_space<hbm>>) dst(%arg8 : memref<64x512xf32, #tpu.memory_space<vmem>>)
      "tpu.region"() ({
        %run_scoped3A = tpu.sem_alloc : memref<!tpu.dma_semaphore, #tpu.memory_space<semaphore_mem>>
        %dma_start3A_22 = arith.constant 0 : i32
        %dma_start3A_23 = tpu.memref_slice %arg5[%add3A_11, %dma_start3A_22] : memref<65536x512xf32, #tpu.memory_space<hbm>> -> memref<64x512xf32, #tpu.memory_space<hbm>>
        %dma_start3A_24 = arith.constant 0 : i32
        %dma_start3A_25 = tpu.memref_slice %arg5[%add3A_11, %dma_start3A_24] : memref<65536x512xf32, #tpu.memory_space<hbm>> -> memref<64x512xf32, #tpu.memory_space<hbm>>
        tpu.enqueue_dma source(%arg8 : memref<64x512xf32, #tpu.memory_space<vmem>>) target(%dma_start3A_25 : memref<64x512xf32, #tpu.memory_space<hbm>>) target_semaphore(%run_scoped3A : memref<!tpu.dma_semaphore, #tpu.memory_space<semaphore_mem>>)
        %dma_wait3A_26 = arith.constant 0 : i32
        %dma_wait3A_27 = tpu.memref_slice %arg5[%add3A_11, %dma_wait3A_26] : memref<65536x512xf32, #tpu.memory_space<hbm>> -> memref<64x512xf32, #tpu.memory_space<hbm>>
        %dma_wait3A_28 = arith.constant 0 : i32
        %dma_wait3A_29 = tpu.memref_slice %arg5[%add3A_11, %dma_wait3A_28] : memref<65536x512xf32, #tpu.memory_space<hbm>> -> memref<64x512xf32, #tpu.memory_space<hbm>>
        tpu.wait_dma2 semaphore(%run_scoped3A : memref<!tpu.dma_semaphore, #tpu.memory_space<semaphore_mem>>) src(%arg8 : memref<64x512xf32, #tpu.memory_space<vmem>>) dst(%dma_wait3A_29 : memref<64x512xf32, #tpu.memory_space<hbm>>)
        tpu.yield
      }) : () -> ()
      %dma_wait3A_19 = arith.constant 0 : i32
      %dma_wait3A_20 = arith.constant 0 : i32
      %dma_wait3A_21 = tpu.memref_slice %arg3[%dma_wait3A_19, %dma_wait3A_20] : memref<8192x512xf32, #tpu.memory_space<hbm>> -> memref<8192x512xf32, #tpu.memory_space<hbm>>
      tpu.wait_indirect_dma semaphore(%arg11 : memref<!tpu.dma_semaphore, #tpu.memory_space<semaphore_mem>>) src(%dma_wait3A_21 : memref<8192x512xf32, #tpu.memory_space<hbm>>) dst(%arg9 : memref<64x512xf32, #tpu.memory_space<vmem>>)
      "tpu.region"() ({
        %run_scoped3A = tpu.sem_alloc : memref<!tpu.dma_semaphore, #tpu.memory_space<semaphore_mem>>
        %dma_start3A_22 = arith.constant 0 : i32
        %dma_start3A_23 = tpu.memref_slice %arg6[%add3A_11, %dma_start3A_22] : memref<65536x512xf32, #tpu.memory_space<hbm>> -> memref<64x512xf32, #tpu.memory_space<hbm>>
        %dma_start3A_24 = arith.constant 0 : i32
        %dma_start3A_25 = tpu.memref_slice %arg6[%add3A_11, %dma_start3A_24] : memref<65536x512xf32, #tpu.memory_space<hbm>> -> memref<64x512xf32, #tpu.memory_space<hbm>>
        tpu.enqueue_dma source(%arg9 : memref<64x512xf32, #tpu.memory_space<vmem>>) target(%dma_start3A_25 : memref<64x512xf32, #tpu.memory_space<hbm>>) target_semaphore(%run_scoped3A : memref<!tpu.dma_semaphore, #tpu.memory_space<semaphore_mem>>)
        %dma_wait3A_26 = arith.constant 0 : i32
        %dma_wait3A_27 = tpu.memref_slice %arg6[%add3A_11, %dma_wait3A_26] : memref<65536x512xf32, #tpu.memory_space<hbm>> -> memref<64x512xf32, #tpu.memory_space<hbm>>
        %dma_wait3A_28 = arith.constant 0 : i32
        %dma_wait3A_29 = tpu.memref_slice %arg6[%add3A_11, %dma_wait3A_28] : memref<65536x512xf32, #tpu.memory_space<hbm>> -> memref<64x512xf32, #tpu.memory_space<hbm>>
        tpu.wait_dma2 semaphore(%run_scoped3A : memref<!tpu.dma_semaphore, #tpu.memory_space<semaphore_mem>>) src(%arg9 : memref<64x512xf32, #tpu.memory_space<vmem>>) dst(%dma_wait3A_29 : memref<64x512xf32, #tpu.memory_space<hbm>>)
        tpu.yield
      }) : () -> ()
    }
    %scan3A_5 = arith.constant 32 : i32
    return
  }
}

module attributes {stable_mosaic.version = 14 : i64} {
  func.func @_knn_body(%arg0: i32, %arg1: memref<256x1xf32, #tpu.memory_space<vmem>>, %arg2: memref<1x8192xf32, #tpu.memory_space<vmem>>, %arg3: memref<256x3xbf16, #tpu.memory_space<vmem>>, %arg4: memref<8192x3xbf16, #tpu.memory_space<vmem>>, %arg5: memref<256x8xi32, #tpu.memory_space<vmem>>) attributes {dimension_semantics = [#tpu.dimension_semantics<arbitrary>], iteration_bounds = array<i64: 32>, scalar_prefetch = 0 : i64, scratch_operands = 0 : i64, tpu.core_type = #tpu.core_type<tc>, window_params = [{transform_indices = @transform_0, window_bounds = array<i64: 256, 1>}, {pipeline_mode = #tpu.pipeline_mode<synchronous>, transform_indices = @transform_1, window_bounds = array<i64: 1, 8192>}, {transform_indices = @transform_2, window_bounds = array<i64: 256, 3>}, {pipeline_mode = #tpu.pipeline_mode<synchronous>, transform_indices = @transform_3, window_bounds = array<i64: 8192, 3>}, {transform_indices = @transform_4, window_bounds = array<i64: 256, 8>}]} {
    %get3A = arith.constant 0 : index
    %get3A_0 = arith.constant 0 : index
    %get3A_1 = vector.load %arg3[%get3A, %get3A_0] : memref<256x3xbf16, #tpu.memory_space<vmem>>, vector<256x3xbf16>
    %get3A_2 = arith.constant 0 : index
    %get3A_3 = arith.constant 0 : index
    %get3A_4 = vector.load %arg4[%get3A_2, %get3A_3] : memref<8192x3xbf16, #tpu.memory_space<vmem>>, vector<8192x3xbf16>
    %dot_general3A = arith.constant dense<0.000000e+00> : vector<256x8192xf32>
    %dot_general3A_5 = tpu.matmul %get3A_1, %get3A_4, %dot_general3A {dimension_numbers = #tpu.dot_dimension_numbers<[1], [1], [0], [0], [0, 0, 1, 0], [], []>, transpose_lhs_hint = false} : vector<256x3xbf16>, vector<8192x3xbf16>, vector<256x8192xf32> -> vector<256x8192xf32>
    %get3A_6 = arith.constant 0 : index
    %get3A_7 = arith.constant 0 : index
    %get3A_8 = vector.load %arg1[%get3A_6, %get3A_7] : memref<256x1xf32, #tpu.memory_space<vmem>>, vector<256x1xf32>
    %mul3A = arith.constant 2.000000e+00 : f32
    %mul3A_9 = vector.broadcast %mul3A : f32 to vector<256x8192xf32>
    %mul3A_10 = arith.mulf %mul3A_9, %dot_general3A_5 : vector<256x8192xf32>
    %sub3A = vector.broadcast %get3A_8 : vector<256x1xf32> to vector<256x8192xf32>
    %sub3A_11 = arith.subf %sub3A, %mul3A_10 : vector<256x8192xf32>
    %get3A_12 = arith.constant 0 : index
    %get3A_13 = arith.constant 0 : index
    %get3A_14 = vector.load %arg2[%get3A_12, %get3A_13] : memref<1x8192xf32, #tpu.memory_space<vmem>>, vector<1x8192xf32>
    %add3A = vector.broadcast %get3A_14 : vector<1x8192xf32> to vector<256x8192xf32>
    %add3A_15 = arith.addf %sub3A_11, %add3A : vector<256x8192xf32>
    %iota3A = tpu.iota {dimensions = array<i32: 1>} : vector<256x8192xi32>
    %convert_element_type3A = arith.sitofp %iota3A : vector<256x8192xi32> to vector<256x8192xf32>
    %reduce_min3A = arith.constant dense<0x7F800000> : vector<256xf32>
    %reduce_min3A_16 = vector.multi_reduction <minimumf>, %add3A_15, %reduce_min3A [1] : vector<256x8192xf32> to vector<256xf32>
    %broadcast_in_dim3A = vector.shape_cast %reduce_min3A_16 : vector<256xf32> to vector<256x1xf32>
    %eq3A = vector.broadcast %broadcast_in_dim3A : vector<256x1xf32> to vector<256x8192xf32>
    %eq3A_17 = arith.cmpf oeq, %add3A_15, %eq3A : vector<256x8192xf32>
    %jit3A = arith.constant 8.192000e+03 : f32
    %broadcast_in_dim3A_18 = vector.broadcast %jit3A : f32 to vector<256x8192xf32>
    %select_n3A = arith.select %eq3A_17, %convert_element_type3A, %broadcast_in_dim3A_18 : vector<256x8192xi1>, vector<256x8192xf32>
    %reduce_min3A_19 = arith.constant dense<0x7F800000> : vector<256xf32>
    %reduce_min3A_20 = vector.multi_reduction <minimumf>, %select_n3A, %reduce_min3A_19 [1] : vector<256x8192xf32> to vector<256xf32>
    %broadcast_in_dim3A_21 = vector.shape_cast %reduce_min3A_20 : vector<256xf32> to vector<256x1xf32>
    %eq3A_22 = vector.broadcast %broadcast_in_dim3A_21 : vector<256x1xf32> to vector<256x8192xf32>
    %eq3A_23 = arith.cmpf oeq, %select_n3A, %eq3A_22 : vector<256x8192xf32>
    %jit3A_24 = arith.constant 0x7F800000 : f32
    %broadcast_in_dim3A_25 = vector.broadcast %jit3A_24 : f32 to vector<256x8192xf32>
    %select_n3A_26 = arith.select %eq3A_23, %broadcast_in_dim3A_25, %add3A_15 : vector<256x8192xi1>, vector<256x8192xf32>
    %reduce_min3A_27 = arith.constant dense<0x7F800000> : vector<256xf32>
    %reduce_min3A_28 = vector.multi_reduction <minimumf>, %select_n3A_26, %reduce_min3A_27 [1] : vector<256x8192xf32> to vector<256xf32>
    %broadcast_in_dim3A_29 = vector.shape_cast %reduce_min3A_28 : vector<256xf32> to vector<256x1xf32>
    %eq3A_30 = vector.broadcast %broadcast_in_dim3A_29 : vector<256x1xf32> to vector<256x8192xf32>
    %eq3A_31 = arith.cmpf oeq, %select_n3A_26, %eq3A_30 : vector<256x8192xf32>
    %jit3A_32 = arith.constant 8.192000e+03 : f32
    %broadcast_in_dim3A_33 = vector.broadcast %jit3A_32 : f32 to vector<256x8192xf32>
    %select_n3A_34 = arith.select %eq3A_31, %convert_element_type3A, %broadcast_in_dim3A_33 : vector<256x8192xi1>, vector<256x8192xf32>
    %reduce_min3A_35 = arith.constant dense<0x7F800000> : vector<256xf32>
    %reduce_min3A_36 = vector.multi_reduction <minimumf>, %select_n3A_34, %reduce_min3A_35 [1] : vector<256x8192xf32> to vector<256xf32>
    %broadcast_in_dim3A_37 = vector.shape_cast %reduce_min3A_36 : vector<256xf32> to vector<256x1xf32>
    %eq3A_38 = vector.broadcast %broadcast_in_dim3A_37 : vector<256x1xf32> to vector<256x8192xf32>
    %eq3A_39 = arith.cmpf oeq, %select_n3A_34, %eq3A_38 : vector<256x8192xf32>
    %jit3A_40 = arith.constant 0x7F800000 : f32
    %broadcast_in_dim3A_41 = vector.broadcast %jit3A_40 : f32 to vector<256x8192xf32>
    %select_n3A_42 = arith.select %eq3A_39, %broadcast_in_dim3A_41, %select_n3A_26 : vector<256x8192xi1>, vector<256x8192xf32>
    %reduce_min3A_43 = arith.constant dense<0x7F800000> : vector<256xf32>
    %reduce_min3A_44 = vector.multi_reduction <minimumf>, %select_n3A_42, %reduce_min3A_43 [1] : vector<256x8192xf32> to vector<256xf32>
    %broadcast_in_dim3A_45 = vector.shape_cast %reduce_min3A_44 : vector<256xf32> to vector<256x1xf32>
    %eq3A_46 = vector.broadcast %broadcast_in_dim3A_45 : vector<256x1xf32> to vector<256x8192xf32>
    %eq3A_47 = arith.cmpf oeq, %select_n3A_42, %eq3A_46 : vector<256x8192xf32>
    %jit3A_48 = arith.constant 8.192000e+03 : f32
    %broadcast_in_dim3A_49 = vector.broadcast %jit3A_48 : f32 to vector<256x8192xf32>
    %select_n3A_50 = arith.select %eq3A_47, %convert_element_type3A, %broadcast_in_dim3A_49 : vector<256x8192xi1>, vector<256x8192xf32>
    %reduce_min3A_51 = arith.constant dense<0x7F800000> : vector<256xf32>
    %reduce_min3A_52 = vector.multi_reduction <minimumf>, %select_n3A_50, %reduce_min3A_51 [1] : vector<256x8192xf32> to vector<256xf32>
    %broadcast_in_dim3A_53 = vector.shape_cast %reduce_min3A_52 : vector<256xf32> to vector<256x1xf32>
    %eq3A_54 = vector.broadcast %broadcast_in_dim3A_53 : vector<256x1xf32> to vector<256x8192xf32>
    %eq3A_55 = arith.cmpf oeq, %select_n3A_50, %eq3A_54 : vector<256x8192xf32>
    %jit3A_56 = arith.constant 0x7F800000 : f32
    %broadcast_in_dim3A_57 = vector.broadcast %jit3A_56 : f32 to vector<256x8192xf32>
    %select_n3A_58 = arith.select %eq3A_55, %broadcast_in_dim3A_57, %select_n3A_42 : vector<256x8192xi1>, vector<256x8192xf32>
    %reduce_min3A_59 = arith.constant dense<0x7F800000> : vector<256xf32>
    %reduce_min3A_60 = vector.multi_reduction <minimumf>, %select_n3A_58, %reduce_min3A_59 [1] : vector<256x8192xf32> to vector<256xf32>
    %broadcast_in_dim3A_61 = vector.shape_cast %reduce_min3A_60 : vector<256xf32> to vector<256x1xf32>
    %eq3A_62 = vector.broadcast %broadcast_in_dim3A_61 : vector<256x1xf32> to vector<256x8192xf32>
    %eq3A_63 = arith.cmpf oeq, %select_n3A_58, %eq3A_62 : vector<256x8192xf32>
    %jit3A_64 = arith.constant 8.192000e+03 : f32
    %broadcast_in_dim3A_65 = vector.broadcast %jit3A_64 : f32 to vector<256x8192xf32>
    %select_n3A_66 = arith.select %eq3A_63, %convert_element_type3A, %broadcast_in_dim3A_65 : vector<256x8192xi1>, vector<256x8192xf32>
    %reduce_min3A_67 = arith.constant dense<0x7F800000> : vector<256xf32>
    %reduce_min3A_68 = vector.multi_reduction <minimumf>, %select_n3A_66, %reduce_min3A_67 [1] : vector<256x8192xf32> to vector<256xf32>
    %broadcast_in_dim3A_69 = vector.shape_cast %reduce_min3A_68 : vector<256xf32> to vector<256x1xf32>
    %eq3A_70 = vector.broadcast %broadcast_in_dim3A_69 : vector<256x1xf32> to vector<256x8192xf32>
    %eq3A_71 = arith.cmpf oeq, %select_n3A_66, %eq3A_70 : vector<256x8192xf32>
    %jit3A_72 = arith.constant 0x7F800000 : f32
    %broadcast_in_dim3A_73 = vector.broadcast %jit3A_72 : f32 to vector<256x8192xf32>
    %select_n3A_74 = arith.select %eq3A_71, %broadcast_in_dim3A_73, %select_n3A_58 : vector<256x8192xi1>, vector<256x8192xf32>
    %reduce_min3A_75 = arith.constant dense<0x7F800000> : vector<256xf32>
    %reduce_min3A_76 = vector.multi_reduction <minimumf>, %select_n3A_74, %reduce_min3A_75 [1] : vector<256x8192xf32> to vector<256xf32>
    %broadcast_in_dim3A_77 = vector.shape_cast %reduce_min3A_76 : vector<256xf32> to vector<256x1xf32>
    %eq3A_78 = vector.broadcast %broadcast_in_dim3A_77 : vector<256x1xf32> to vector<256x8192xf32>
    %eq3A_79 = arith.cmpf oeq, %select_n3A_74, %eq3A_78 : vector<256x8192xf32>
    %jit3A_80 = arith.constant 8.192000e+03 : f32
    %broadcast_in_dim3A_81 = vector.broadcast %jit3A_80 : f32 to vector<256x8192xf32>
    %select_n3A_82 = arith.select %eq3A_79, %convert_element_type3A, %broadcast_in_dim3A_81 : vector<256x8192xi1>, vector<256x8192xf32>
    %reduce_min3A_83 = arith.constant dense<0x7F800000> : vector<256xf32>
    %reduce_min3A_84 = vector.multi_reduction <minimumf>, %select_n3A_82, %reduce_min3A_83 [1] : vector<256x8192xf32> to vector<256xf32>
    %broadcast_in_dim3A_85 = vector.shape_cast %reduce_min3A_84 : vector<256xf32> to vector<256x1xf32>
    %eq3A_86 = vector.broadcast %broadcast_in_dim3A_85 : vector<256x1xf32> to vector<256x8192xf32>
    %eq3A_87 = arith.cmpf oeq, %select_n3A_82, %eq3A_86 : vector<256x8192xf32>
    %jit3A_88 = arith.constant 0x7F800000 : f32
    %broadcast_in_dim3A_89 = vector.broadcast %jit3A_88 : f32 to vector<256x8192xf32>
    %select_n3A_90 = arith.select %eq3A_87, %broadcast_in_dim3A_89, %select_n3A_74 : vector<256x8192xi1>, vector<256x8192xf32>
    %reduce_min3A_91 = arith.constant dense<0x7F800000> : vector<256xf32>
    %reduce_min3A_92 = vector.multi_reduction <minimumf>, %select_n3A_90, %reduce_min3A_91 [1] : vector<256x8192xf32> to vector<256xf32>
    %broadcast_in_dim3A_93 = vector.shape_cast %reduce_min3A_92 : vector<256xf32> to vector<256x1xf32>
    %eq3A_94 = vector.broadcast %broadcast_in_dim3A_93 : vector<256x1xf32> to vector<256x8192xf32>
    %eq3A_95 = arith.cmpf oeq, %select_n3A_90, %eq3A_94 : vector<256x8192xf32>
    %jit3A_96 = arith.constant 8.192000e+03 : f32
    %broadcast_in_dim3A_97 = vector.broadcast %jit3A_96 : f32 to vector<256x8192xf32>
    %select_n3A_98 = arith.select %eq3A_95, %convert_element_type3A, %broadcast_in_dim3A_97 : vector<256x8192xi1>, vector<256x8192xf32>
    %reduce_min3A_99 = arith.constant dense<0x7F800000> : vector<256xf32>
    %reduce_min3A_100 = vector.multi_reduction <minimumf>, %select_n3A_98, %reduce_min3A_99 [1] : vector<256x8192xf32> to vector<256xf32>
    %broadcast_in_dim3A_101 = vector.shape_cast %reduce_min3A_100 : vector<256xf32> to vector<256x1xf32>
    %eq3A_102 = vector.broadcast %broadcast_in_dim3A_101 : vector<256x1xf32> to vector<256x8192xf32>
    %eq3A_103 = arith.cmpf oeq, %select_n3A_98, %eq3A_102 : vector<256x8192xf32>
    %jit3A_104 = arith.constant 0x7F800000 : f32
    %broadcast_in_dim3A_105 = vector.broadcast %jit3A_104 : f32 to vector<256x8192xf32>
    %select_n3A_106 = arith.select %eq3A_103, %broadcast_in_dim3A_105, %select_n3A_90 : vector<256x8192xi1>, vector<256x8192xf32>
    %reduce_min3A_107 = arith.constant dense<0x7F800000> : vector<256xf32>
    %reduce_min3A_108 = vector.multi_reduction <minimumf>, %select_n3A_106, %reduce_min3A_107 [1] : vector<256x8192xf32> to vector<256xf32>
    %broadcast_in_dim3A_109 = vector.shape_cast %reduce_min3A_108 : vector<256xf32> to vector<256x1xf32>
    %eq3A_110 = vector.broadcast %broadcast_in_dim3A_109 : vector<256x1xf32> to vector<256x8192xf32>
    %eq3A_111 = arith.cmpf oeq, %select_n3A_106, %eq3A_110 : vector<256x8192xf32>
    %jit3A_112 = arith.constant 8.192000e+03 : f32
    %broadcast_in_dim3A_113 = vector.broadcast %jit3A_112 : f32 to vector<256x8192xf32>
    %select_n3A_114 = arith.select %eq3A_111, %convert_element_type3A, %broadcast_in_dim3A_113 : vector<256x8192xi1>, vector<256x8192xf32>
    %reduce_min3A_115 = arith.constant dense<0x7F800000> : vector<256xf32>
    %reduce_min3A_116 = vector.multi_reduction <minimumf>, %select_n3A_114, %reduce_min3A_115 [1] : vector<256x8192xf32> to vector<256xf32>
    %broadcast_in_dim3A_117 = vector.shape_cast %reduce_min3A_116 : vector<256xf32> to vector<256x1xf32>
    %eq3A_118 = vector.broadcast %broadcast_in_dim3A_117 : vector<256x1xf32> to vector<256x8192xf32>
    %eq3A_119 = arith.cmpf oeq, %select_n3A_114, %eq3A_118 : vector<256x8192xf32>
    %jit3A_120 = arith.constant 0x7F800000 : f32
    %broadcast_in_dim3A_121 = vector.broadcast %jit3A_120 : f32 to vector<256x8192xf32>
    %select_n3A_122 = arith.select %eq3A_119, %broadcast_in_dim3A_121, %select_n3A_106 : vector<256x8192xi1>, vector<256x8192xf32>
    %reduce_min3A_123 = arith.constant dense<0x7F800000> : vector<256xf32>
    %reduce_min3A_124 = vector.multi_reduction <minimumf>, %select_n3A_122, %reduce_min3A_123 [1] : vector<256x8192xf32> to vector<256xf32>
    %broadcast_in_dim3A_125 = vector.shape_cast %reduce_min3A_124 : vector<256xf32> to vector<256x1xf32>
    %eq3A_126 = vector.broadcast %broadcast_in_dim3A_125 : vector<256x1xf32> to vector<256x8192xf32>
    %eq3A_127 = arith.cmpf oeq, %select_n3A_122, %eq3A_126 : vector<256x8192xf32>
    %jit3A_128 = arith.constant 8.192000e+03 : f32
    %broadcast_in_dim3A_129 = vector.broadcast %jit3A_128 : f32 to vector<256x8192xf32>
    %select_n3A_130 = arith.select %eq3A_127, %convert_element_type3A, %broadcast_in_dim3A_129 : vector<256x8192xi1>, vector<256x8192xf32>
    %reduce_min3A_131 = arith.constant dense<0x7F800000> : vector<256xf32>
    %reduce_min3A_132 = vector.multi_reduction <minimumf>, %select_n3A_130, %reduce_min3A_131 [1] : vector<256x8192xf32> to vector<256xf32>
    %broadcast_in_dim3A_133 = vector.shape_cast %reduce_min3A_132 : vector<256xf32> to vector<256x1xf32>
    %concatenate3A = tpu.concatenate %broadcast_in_dim3A_21, %broadcast_in_dim3A_37, %broadcast_in_dim3A_53, %broadcast_in_dim3A_69, %broadcast_in_dim3A_85, %broadcast_in_dim3A_101, %broadcast_in_dim3A_117, %broadcast_in_dim3A_133 in 1 : vector<256x1xf32>, vector<256x1xf32>, vector<256x1xf32>, vector<256x1xf32>, vector<256x1xf32>, vector<256x1xf32>, vector<256x1xf32>, vector<256x1xf32> -> vector<256x8xf32>
    %convert_element_type3A_134 = arith.fptosi %concatenate3A : vector<256x8xf32> to vector<256x8xi32>
    %swap3A = arith.constant 0 : index
    %swap3A_135 = arith.constant 0 : index
    %swap3A_136 = vector.load %arg5[%swap3A, %swap3A_135] : memref<256x8xi32, #tpu.memory_space<vmem>>, vector<256x8xi32>
    tpu.vector_store %arg5[%swap3A, %swap3A_135], %convert_element_type3A_134 {strides = array<i32>} : memref<256x8xi32, #tpu.memory_space<vmem>>, vector<256x8xi32>,
    return
  }
  func.func @transform_0(%arg0: i32) -> (i32, i32) {
    %c0_i32 = arith.constant 0 : i32
    %c0_i32_0 = arith.constant 0 : i32
    return %arg0, %c0_i32 : i32, i32
  }
  func.func @transform_1(%arg0: i32) -> (i32, i32) {
    %c0_i32 = arith.constant 0 : i32
    %c0_i32_0 = arith.constant 0 : i32
    %c0_i32_1 = arith.constant 0 : i32
    return %c0_i32, %c0_i32_0 : i32, i32
  }
  func.func @transform_2(%arg0: i32) -> (i32, i32) {
    %c0_i32 = arith.constant 0 : i32
    %c0_i32_0 = arith.constant 0 : i32
    return %arg0, %c0_i32 : i32, i32
  }
  func.func @transform_3(%arg0: i32) -> (i32, i32) {
    %c0_i32 = arith.constant 0 : i32
    %c0_i32_0 = arith.constant 0 : i32
    %c0_i32_1 = arith.constant 0 : i32
    return %c0_i32, %c0_i32_0 : i32, i32
  }
  func.func @transform_4(%arg0: i32) -> (i32, i32) {
    %c0_i32 = arith.constant 0 : i32
    %c0_i32_0 = arith.constant 0 : i32
    return %arg0, %c0_i32 : i32, i32
  }
}

module attributes {stable_mosaic.version = 14 : i64} {
  func.func @_combine_body(%arg0: memref<512x512xf32, #tpu.memory_space<vmem>>, %arg1: memref<512x512xf32, #tpu.memory_space<vmem>>, %arg2: memref<512x1024xf32, #tpu.memory_space<vmem>>, %arg3: memref<1x512xf32, #tpu.memory_space<vmem>>, %arg4: memref<1x512xf32, #tpu.memory_space<vmem>>, %arg5: memref<1x1024xf32, #tpu.memory_space<vmem>>, %arg6: memref<512x1024xf32, #tpu.memory_space<vmem>>, %arg7: memref<1x1024xf32, #tpu.memory_space<vmem>>) attributes {dimension_semantics = [], scalar_prefetch = 0 : i64, scratch_operands = 0 : i64, tpu.core_type = #tpu.core_type<tc>} {
    %get3A = arith.constant 0 : index
    %get3A_0 = arith.constant 0 : index
    %get3A_1 = vector.load %arg1[%get3A, %get3A_0] : memref<512x512xf32, #tpu.memory_space<vmem>>, vector<512x512xf32>
    %get3A_2 = arith.constant 0 : index
    %get3A_3 = arith.constant 0 : index
    %get3A_4 = vector.load %arg0[%get3A_2, %get3A_3] : memref<512x512xf32, #tpu.memory_space<vmem>>, vector<512x512xf32>
    %dot_general3A = arith.constant dense<0.000000e+00> : vector<512x512xf32>
    %dot_general3A_5 = tpu.matmul %get3A_1, %get3A_4, %dot_general3A {dimension_numbers = #tpu.dot_dimension_numbers<[1], [0], [0], [1], [0, 0, 1, 1], [], []>, transpose_lhs_hint = false} : vector<512x512xf32>, vector<512x512xf32>, vector<512x512xf32> -> vector<512x512xf32>
    %get3A_6 = arith.constant 0 : index
    %get3A_7 = arith.constant 0 : index
    %get3A_8 = vector.load %arg2[%get3A_6, %get3A_7] : memref<512x1024xf32, #tpu.memory_space<vmem>>, vector<512x1024xf32>
    %dot_general3A_9 = arith.constant dense<0.000000e+00> : vector<512x1024xf32>
    %dot_general3A_10 = tpu.matmul %dot_general3A_5, %get3A_8, %dot_general3A_9 {dimension_numbers = #tpu.dot_dimension_numbers<[0], [0], [1], [1], [0, 1, 1, 1], [], []>, transpose_lhs_hint = false} : vector<512x512xf32>, vector<512x1024xf32>, vector<512x1024xf32> -> vector<512x1024xf32>
    %swap3A = arith.constant 0 : index
    %swap3A_11 = arith.constant 0 : index
    %swap3A_12 = vector.load %arg6[%swap3A, %swap3A_11] : memref<512x1024xf32, #tpu.memory_space<vmem>>, vector<512x1024xf32>
    tpu.vector_store %arg6[%swap3A, %swap3A_11], %dot_general3A_10 {strides = array<i32>} : memref<512x1024xf32, #tpu.memory_space<vmem>>, vector<512x1024xf32>,
    %get3A_13 = arith.constant 0 : index
    %get3A_14 = arith.constant 0 : index
    %get3A_15 = vector.load %arg3[%get3A_13, %get3A_14] : memref<1x512xf32, #tpu.memory_space<vmem>>, vector<1x512xf32>
    %get3A_16 = arith.constant 0 : index
    %get3A_17 = arith.constant 0 : index
    %get3A_18 = vector.load %arg1[%get3A_16, %get3A_17] : memref<512x512xf32, #tpu.memory_space<vmem>>, vector<512x512xf32>
    %dot_general3A_19 = arith.constant dense<0.000000e+00> : vector<1x512xf32>
    %dot_general3A_20 = tpu.matmul %get3A_15, %get3A_18, %dot_general3A_19 {dimension_numbers = #tpu.dot_dimension_numbers<[1], [1], [0], [0], [0, 0, 1, 0], [], []>, transpose_lhs_hint = false} : vector<1x512xf32>, vector<512x512xf32>, vector<1x512xf32> -> vector<1x512xf32>
    %get3A_21 = arith.constant 0 : index
    %get3A_22 = arith.constant 0 : index
    %get3A_23 = vector.load %arg4[%get3A_21, %get3A_22] : memref<1x512xf32, #tpu.memory_space<vmem>>, vector<1x512xf32>
    %add3A = arith.addf %dot_general3A_20, %get3A_23 : vector<1x512xf32>
    %get3A_24 = arith.constant 0 : index
    %get3A_25 = arith.constant 0 : index
    %get3A_26 = vector.load %arg2[%get3A_24, %get3A_25] : memref<512x1024xf32, #tpu.memory_space<vmem>>, vector<512x1024xf32>
    %dot_general3A_27 = arith.constant dense<0.000000e+00> : vector<1x1024xf32>
    %dot_general3A_28 = tpu.matmul %add3A, %get3A_26, %dot_general3A_27 {dimension_numbers = #tpu.dot_dimension_numbers<[1], [0], [0], [1], [0, 0, 1, 1], [], []>, transpose_lhs_hint = false} : vector<1x512xf32>, vector<512x1024xf32>, vector<1x1024xf32> -> vector<1x1024xf32>
    %get3A_29 = arith.constant 0 : index
    %get3A_30 = arith.constant 0 : index
    %get3A_31 = vector.load %arg5[%get3A_29, %get3A_30] : memref<1x1024xf32, #tpu.memory_space<vmem>>, vector<1x1024xf32>
    %add3A_32 = arith.addf %dot_general3A_28, %get3A_31 : vector<1x1024xf32>
    %swap3A_33 = arith.constant 0 : index
    %swap3A_34 = arith.constant 0 : index
    %swap3A_35 = vector.load %arg7[%swap3A_33, %swap3A_34] : memref<1x1024xf32, #tpu.memory_space<vmem>>, vector<1x1024xf32>
    tpu.vector_store %arg7[%swap3A_33, %swap3A_34], %add3A_32 {strides = array<i32>} : memref<1x1024xf32, #tpu.memory_space<vmem>>, vector<1x1024xf32>,
    return
  }
}

module attributes {stable_mosaic.version = 14 : i64} {
  func.func @_attn_body(%arg0: i32, %arg1: memref<256x512xf32, #tpu.memory_space<vmem>>, %arg2: memref<2048x512xf32, #tpu.memory_space<vmem>>, %arg3: memref<2048x512xf32, #tpu.memory_space<vmem>>, %arg4: memref<512x1024xf32, #tpu.memory_space<vmem>>, %arg5: memref<1x1024xf32, #tpu.memory_space<vmem>>, %arg6: memref<1x1024xf32, #tpu.memory_space<vmem>>, %arg7: memref<256x1024xf32, #tpu.memory_space<vmem>>) attributes {dimension_semantics = [#tpu.dimension_semantics<arbitrary>], iteration_bounds = array<i64: 64>, scalar_prefetch = 0 : i64, scratch_operands = 0 : i64, tpu.core_type = #tpu.core_type<tc>, window_params = [{transform_indices = @transform_0, window_bounds = array<i64: 256, 512>}, {transform_indices = @transform_1, window_bounds = array<i64: 2048, 512>}, {transform_indices = @transform_2, window_bounds = array<i64: 2048, 512>}, {pipeline_mode = #tpu.pipeline_mode<synchronous>, transform_indices = @transform_3, window_bounds = array<i64: 512, 1024>}, {pipeline_mode = #tpu.pipeline_mode<synchronous>, transform_indices = @transform_4, window_bounds = array<i64: 1, 1024>}, {pipeline_mode = #tpu.pipeline_mode<synchronous>, transform_indices = @transform_5, window_bounds = array<i64: 1, 1024>}, {transform_indices = @transform_6, window_bounds = array<i64: 256, 1024>}]} {
    %lt3A = arith.constant 32 : i32
    %lt3A_0 = arith.cmpi slt, %arg0, %lt3A : i32
    %convert_element_type3A = arith.extui %lt3A_0 : i1 to i32
    %cond3A = arith.constant 0 : i32
    %cond3A_1 = arith.cmpi ne, %convert_element_type3A, %cond3A : i32
    scf.if %cond3A_1 {
      %get3A = arith.constant 0 : index
      %get3A_6 = arith.constant 0 : index
      %get3A_7 = vector.load %arg6[%get3A, %get3A_6] : memref<1x1024xf32, #tpu.memory_space<vmem>>, vector<1x1024xf32>
      %broadcast_in_dim3A = vector.shape_cast %get3A_7 : vector<1x1024xf32> to vector<1x1024xf32>
      %broadcast_in_dim3A_8 = vector.broadcast %broadcast_in_dim3A : vector<1x1024xf32> to vector<256x1024xf32>
      %swap3A = arith.constant 0 : index
      %swap3A_9 = arith.constant 0 : index
      %swap3A_10 = vector.load %arg7[%swap3A, %swap3A_9] : memref<256x1024xf32, #tpu.memory_space<vmem>>, vector<256x1024xf32>
      tpu.vector_store %arg7[%swap3A, %swap3A_9], %broadcast_in_dim3A_8 {strides = array<i32>} : memref<256x1024xf32, #tpu.memory_space<vmem>>, vector<256x1024xf32>,
    } else {
    }
    %ge3A = arith.constant 32 : i32
    %ge3A_2 = arith.cmpi sge, %arg0, %ge3A : i32
    %convert_element_type3A_3 = arith.extui %ge3A_2 : i1 to i32
    %cond3A_4 = arith.constant 0 : i32
    %cond3A_5 = arith.cmpi ne, %convert_element_type3A_3, %cond3A_4 : i32
    scf.if %cond3A_5 {
      %get3A = arith.constant 0 : index
      %get3A_6 = arith.constant 0 : index
      %get3A_7 = vector.load %arg1[%get3A, %get3A_6] : memref<256x512xf32, #tpu.memory_space<vmem>>, vector<256x512xf32>
      %get3A_8 = arith.constant 0 : index
      %get3A_9 = arith.constant 0 : index
      %get3A_10 = vector.load %arg2[%get3A_8, %get3A_9] : memref<2048x512xf32, #tpu.memory_space<vmem>>, vector<2048x512xf32>
      %reshape3A = vector.shape_cast %get3A_10 : vector<2048x512xf32> to vector<256x8x512xf32>
      %get3A_11 = arith.constant 0 : index
      %get3A_12 = arith.constant 0 : index
      %get3A_13 = vector.load %arg3[%get3A_11, %get3A_12] : memref<2048x512xf32, #tpu.memory_space<vmem>>, vector<2048x512xf32>
      %reshape3A_14 = vector.shape_cast %get3A_13 : vector<2048x512xf32> to vector<256x8x512xf32>
      %broadcast_in_dim3A = vector.shape_cast %get3A_7 : vector<256x512xf32> to vector<256x1x512xf32>
      %mul3A = vector.broadcast %broadcast_in_dim3A : vector<256x1x512xf32> to vector<256x8x512xf32>
      %mul3A_15 = arith.mulf %mul3A, %reshape3A : vector<256x8x512xf32>
      %reduce_sum3A = arith.constant dense<0.000000e+00> : vector<256x8xf32>
      %reduce_sum3A_16 = vector.multi_reduction <add>, %mul3A_15, %reduce_sum3A [2] : vector<256x8x512xf32> to vector<256x8xf32>
      %mul3A_17 = arith.constant 0.0441941731 : f32
      %mul3A_18 = vector.broadcast %mul3A_17 : f32 to vector<256x8xf32>
      %mul3A_19 = arith.mulf %reduce_sum3A_16, %mul3A_18 : vector<256x8xf32>
      %reduce_max3A = arith.constant dense<0xFF800000> : vector<256xf32>
      %reduce_max3A_20 = vector.multi_reduction <maximumf>, %mul3A_19, %reduce_max3A [1] : vector<256x8xf32> to vector<256xf32>
      %broadcast_in_dim3A_21 = vector.shape_cast %reduce_max3A_20 : vector<256xf32> to vector<256x1xf32>
      %sub3A = vector.broadcast %broadcast_in_dim3A_21 : vector<256x1xf32> to vector<256x8xf32>
      %sub3A_22 = arith.subf %mul3A_19, %sub3A : vector<256x8xf32>
      %exp3A = math.exp %sub3A_22 : vector<256x8xf32>
      %reduce_sum3A_23 = arith.constant dense<0.000000e+00> : vector<256xf32>
      %reduce_sum3A_24 = vector.multi_reduction <add>, %exp3A, %reduce_sum3A_23 [1] : vector<256x8xf32> to vector<256xf32>
      %broadcast_in_dim3A_25 = vector.shape_cast %reduce_sum3A_24 : vector<256xf32> to vector<256x1xf32>
      %div3A = vector.broadcast %broadcast_in_dim3A_25 : vector<256x1xf32> to vector<256x8xf32>
      %div3A_26 = arith.divf %exp3A, %div3A : vector<256x8xf32>
      %broadcast_in_dim3A_27 = vector.shape_cast %div3A_26 : vector<256x8xf32> to vector<256x8x1xf32>
      %mul3A_28 = vector.broadcast %broadcast_in_dim3A_27 : vector<256x8x1xf32> to vector<256x8x512xf32>
      %mul3A_29 = arith.mulf %mul3A_28, %reshape3A_14 : vector<256x8x512xf32>
      %reduce_sum3A_30 = arith.constant dense<0.000000e+00> : vector<256x512xf32>
      %reduce_sum3A_31 = vector.multi_reduction <add>, %mul3A_29, %reduce_sum3A_30 [1] : vector<256x8x512xf32> to vector<256x512xf32>
      %get3A_32 = arith.constant 0 : index
      %get3A_33 = arith.constant 0 : index
      %get3A_34 = vector.load %arg4[%get3A_32, %get3A_33] : memref<512x1024xf32, #tpu.memory_space<vmem>>, vector<512x1024xf32>
      %dot_general3A = arith.constant dense<0.000000e+00> : vector<256x1024xf32>
      %dot_general3A_35 = tpu.matmul %reduce_sum3A_31, %get3A_34, %dot_general3A {dimension_numbers = #tpu.dot_dimension_numbers<[1], [0], [0], [1], [0, 0, 1, 1], [], []>, transpose_lhs_hint = false} : vector<256x512xf32>, vector<512x1024xf32>, vector<256x1024xf32> -> vector<256x1024xf32>
      %get3A_36 = arith.constant 0 : index
      %get3A_37 = arith.constant 0 : index
      %get3A_38 = vector.load %arg5[%get3A_36, %get3A_37] : memref<1x1024xf32, #tpu.memory_space<vmem>>, vector<1x1024xf32>
      %add3A = vector.broadcast %get3A_38 : vector<1x1024xf32> to vector<256x1024xf32>
      %add3A_39 = arith.addf %dot_general3A_35, %add3A : vector<256x1024xf32>
      %swap3A = arith.constant 0 : index
      %swap3A_40 = arith.constant 0 : index
      %swap3A_41 = vector.load %arg7[%swap3A, %swap3A_40] : memref<256x1024xf32, #tpu.memory_space<vmem>>, vector<256x1024xf32>
      tpu.vector_store %arg7[%swap3A, %swap3A_40], %add3A_39 {strides = array<i32>} : memref<256x1024xf32, #tpu.memory_space<vmem>>, vector<256x1024xf32>,
    } else {
    }
    return
  }
  func.func @transform_0(%arg0: i32) -> (i32, i32) {
    %sub3A = arith.constant 32 : i32
    %sub3A_0 = arith.subi %arg0, %sub3A : i32
    %max3A = arith.constant 0 : i32
    %max3A_1 = arith.maxsi %sub3A_0, %max3A : i32
    %c0_i32 = arith.constant 0 : i32
    %c0_i32_2 = arith.constant 0 : i32
    return %max3A_1, %c0_i32 : i32, i32
  }
  func.func @transform_1(%arg0: i32) -> (i32, i32) {
    %sub3A = arith.constant 32 : i32
    %sub3A_0 = arith.subi %arg0, %sub3A : i32
    %max3A = arith.constant 0 : i32
    %max3A_1 = arith.maxsi %sub3A_0, %max3A : i32
    %c0_i32 = arith.constant 0 : i32
    %c0_i32_2 = arith.constant 0 : i32
    return %max3A_1, %c0_i32 : i32, i32
  }
  func.func @transform_2(%arg0: i32) -> (i32, i32) {
    %sub3A = arith.constant 32 : i32
    %sub3A_0 = arith.subi %arg0, %sub3A : i32
    %max3A = arith.constant 0 : i32
    %max3A_1 = arith.maxsi %sub3A_0, %max3A : i32
    %c0_i32 = arith.constant 0 : i32
    %c0_i32_2 = arith.constant 0 : i32
    return %max3A_1, %c0_i32 : i32, i32
  }
  func.func @transform_3(%arg0: i32) -> (i32, i32) {
    %c0_i32 = arith.constant 0 : i32
    %c0_i32_0 = arith.constant 0 : i32
    %c0_i32_1 = arith.constant 0 : i32
    return %c0_i32, %c0_i32_0 : i32, i32
  }
  func.func @transform_4(%arg0: i32) -> (i32, i32) {
    %c0_i32 = arith.constant 0 : i32
    %c0_i32_0 = arith.constant 0 : i32
    %c0_i32_1 = arith.constant 0 : i32
    return %c0_i32, %c0_i32_0 : i32, i32
  }
  func.func @transform_5(%arg0: i32) -> (i32, i32) {
    %c0_i32 = arith.constant 0 : i32
    %c0_i32_0 = arith.constant 0 : i32
    %c0_i32_1 = arith.constant 0 : i32
    return %c0_i32, %c0_i32_0 : i32, i32
  }
  func.func @transform_6(%arg0: i32) -> (i32, i32) {
    %c0_i32 = arith.constant 0 : i32
    %c0_i32_0 = arith.constant 0 : i32
    return %arg0, %c0_i32 : i32, i32
  }
}

</mosaic_0001>

<sc_bundles>
// kernel: kernel.6.cloned.1.call-start
scs
__scs_entry_jumppad:
0x0: {  	(pc) =	sbr.rel $0x88, $3  }
0x1: {  	(tag) =	ssettag $0x0;
	lr =	simm.s32 $0x1  }
0x2: {  	[smem:$0x3F96] =	sst lr;
	_ =	strace $0xD0000000  }
0x3: {  	_ = 	snop  }
0x4: {  	_ = 	snop  }
0x5: {  	_ = 	snop  }
0x6: {  	_ = 	snop  }
0x7: {  	_ = 	snop  }
__scs_overlays_trampoline_lowered:
0x8: {  	[smem:$0x3FA5] =	sst s0  }
0x9: {  	[smem:$0x3FA6] =	sst s1  }
0xa: {  	[smem:$0x3FA7] =	sst s2  }
0xb: {  	[smem:$0x3FA8] =	sst s3  }
0xc: {  	[smem:$0x3FA9] =	sst s4  }
0xd: {  	[smem:$0x3FAA] =	sst s5  }
0xe: {  	[smem:$0x3FAB] =	sst s6  }
0xf: {  	[smem:$0x3FAC] =	sst s7  }
0x10: {  	[smem:$0x3FAD] =	sst s8  }
0x11: {  	[smem:$0x3FAE] =	sst s9;
	s0 =	simm.s32 @!p0 $0x0  }
0x12: {  	s1 =	sld [smem:$0x3F94];
	s0 =	simm.s32 @p0 $0x1  }
0x13: {  	[smem:$0x3FAF] =	sst s0;
	s0 =	simm.s32 @!p1 $0x0  }
0x14: {  	s2 =	sld [smem:$0x3F93];
	s0 =	simm.s32 @p1 $0x1  }
0x15: {  	[smem:$0x3FB0] =	sst s0;
	s0 =	simm.s32 @!p2 $0x0  }
0x16: {  	s3 =	sld [smem:$0x3FDB];
	s0 =	simm.s32 @p2 $0x1  }
0x17: {  	s4 =	simm.s32 $0x1BF5;
	[smem:$0x3FB2] =	sst s0  }
0x18: {  	s0 =	sld [smem:$0x3F95];
	_ =	swait.ge [sflag:s4], $0x0  }
0x19: {  	s7 =	sld [smem:$0x3F96]  }
0x1a: {  	s8 =	sadd.s32 $0xFFFFE003, lr  }
0x1b: {  	s9 =	sadd.s32 $0xFFFFFEF7, lr;
	s5 =	simm.s32 $0xFFFFFFFF;
	p2 =	slt.u32 s8, $0xFFFFF086  }
0x1c: {  	p1 =	slt.u32 s9, $0xF7A;
	s5 =	simm.s32 @!p2 $0x0  }
0x1d: {  	s5 =	simm.s32 @p1 $0x1;
	p0 =	seq.s32 s7, s2  }
0x1e: {  	s7 =	smul.u32 @!p0 $0xF7A, s2;
	p2 =	seq.s32 @!p0 s5, $0x0  }
0x1f: {  	s9 =	smul.u32 $0xF7A, s1;
	s8 =	simm.s32 @!p0 $0x1BF5;
	p2 =	por !p2, p0  }
0x20: {  	[sflag:s8] =	ssyncset.s32 @!p0 $0xFFFFF086;
	s6 =	sadd.s32 @!p0 s3, s7;
	s7 =	simm.s32 @!p0 $0x108  }
0x21: {  	s3 =	sadd.s32 s3, s9;
	s6 =	sadd.s32 @!p0 $0x88, s6;
	s7 =	simm.s32 @p2 $0x1082  }
0x22: {  	[simem:s7], [sflag:s8] =	dma.local @!p0 [hbm:s6], $0xF7A  }
0x23: {  	s9 =	sor.u32 $0xD0000000, s2;
	s6 =	simm.s32 $0x108;
	_ =	swait.ge @!p0 [sflag:s8], $0x0  }
0x24: {  	s3 =	sadd.s32 $0x88, s3;
	s6 =	simm.s32 @!p1 $0x1082;
	[sflag:s4] =	ssyncset.s32 $0xFFFFF086  }
0x25: {  	[simem:s6], [sflag:s4] =	dma.local [hbm:s3], $0xF7A  }
0x26: {  	[smem:$0x3F96] =	sst s1;
	(tag) =	ssettag s2;
	_ =	strace s9  }
0x27: {  	s1 =	sld [smem:$0x3FA6]  }
0x28: {  	s2 =	sld [smem:$0x3FA7]  }
0x29: {  	s4 =	sld [smem:$0x3FA9]  }
0x2a: {  	p0 =	seq.s32 s5, $0x0;
	s5 =	sld [smem:$0x3FAA]  }
0x2b: {  	s6 =	sld [smem:$0x3FAB]  }
0x2c: {  	s7 =	sld [smem:$0x3FAC]  }
0x2d: {  	s3 =	simm.s32 $0x108;
	s8 =	sld [smem:$0x3FAD]  }
0x2e: {  	s3 =	simm.s32 @!p0 $0x1082;
	s9 =	sld [smem:$0x3FAE]  }
0x2f: {  	lr =	sadd.s32 s0, s3;
	s0 =	sld [smem:$0x3FA5]  }
0x30: {  	s3 =	sld [smem:$0x3FA8]  }
0x31: {  	[smem:$0x3FB1] =	sst s10  }
0x32: {  	s10 =	sld [smem:$0x3FAF];
	_ =	sdelay $0x3  }
0x33: {  	p0 =	seq.s32 s10, $0x1;
	s10 =	sld [smem:$0x3FB1];
	_ =	sdelay $0x3  }
0x34: {  	[smem:$0x3FB1] =	sst s10  }
0x35: {  	s10 =	sld [smem:$0x3FB0];
	_ =	sdelay $0x3  }
0x36: {  	p1 =	seq.s32 s10, $0x1;
	s10 =	sld [smem:$0x3FB1];
	_ =	sdelay $0x3  }
0x37: {  	[smem:$0x3FB1] =	sst s10  }
0x38: {  	s10 =	sld [smem:$0x3FB2]  }
0x39: {  	_ = 	snop;
	(pc) =	sbr.ind lr, $3  }
0x3a: {  	_ = 	snop  }
0x3b: {  	_ = 	snop  }
0x3c: {  	p2 =	seq.s32 s10, $0x1;
	s10 =	sld [smem:$0x3FB1]  }
0x3d: {  	_ =	shalt  }
0x3e: {  	_ =	shalt  }
0x3f: {  	_ =	shalt  }
0x40: {  	_ =	shalt  }
0x41: {  	_ =	shalt  }
0x42: {  	_ =	shalt  }
0x43: {  	_ =	shalt  }
0x44: {  	_ =	shalt  }
0x45: {  	_ =	shalt  }
0x46: {  	_ =	shalt  }
0x47: {  	_ =	shalt  }
0x48: {  	_ =	shalt  }
0x49: {  	_ =	shalt  }
0x4a: {  	_ =	shalt  }
0x4b: {  	_ =	shalt  }
0x4c: {  	_ =	shalt  }
0x4d: {  	_ =	shalt  }
0x4e: {  	_ =	shalt  }
0x4f: {  	_ =	shalt  }
0x50: {  	_ =	shalt  }
0x51: {  	_ =	shalt  }
0x52: {  	_ =	shalt  }
0x53: {  	_ =	shalt  }
0x54: {  	_ =	shalt  }
0x55: {  	_ =	shalt  }
0x56: {  	_ =	shalt  }
0x57: {  	_ =	shalt  }
0x58: {  	_ =	shalt  }
0x59: {  	_ =	shalt  }
0x5a: {  	_ =	shalt  }
0x5b: {  	_ =	shalt  }
0x5c: {  	_ =	shalt  }
0x5d: {  	_ =	shalt  }
0x5e: {  	_ =	shalt  }
0x5f: {  	_ =	shalt  }
0x60: {  	_ =	shalt  }
0x61: {  	_ =	shalt  }
0x62: {  	_ =	shalt  }
0x63: {  	_ =	shalt  }
0x64: {  	_ =	shalt  }
0x65: {  	_ =	shalt  }
0x66: {  	_ =	shalt  }
0x67: {  	_ =	shalt  }
0x68: {  	_ =	shalt  }
0x69: {  	_ =	shalt  }
0x6a: {  	_ =	shalt  }
0x6b: {  	_ =	shalt  }
0x6c: {  	_ =	shalt  }
0x6d: {  	_ =	shalt  }
0x6e: {  	_ =	shalt  }
0x6f: {  	_ =	shalt  }
0x70: {  	_ =	shalt  }
0x71: {  	_ =	shalt  }
0x72: {  	_ =	shalt  }
0x73: {  	_ =	shalt  }
0x74: {  	_ =	shalt  }
0x75: {  	_ =	shalt  }
0x76: {  	_ =	shalt  }
0x77: {  	_ =	shalt  }
0x78: {  	_ =	shalt  }
0x79: {  	_ =	shalt  }
0x7a: {  	_ =	shalt  }
0x7b: {  	_ =	shalt  }
0x7c: {  	_ =	shalt  }
0x7d: {  	_ =	shalt  }
0x7e: {  	_ =	shalt  }
0x7f: {  	_ =	shalt  }
0x80: {  	_ =	shalt  }
0x81: {  	_ =	shalt  }
0x82: {  	_ =	shalt  }
0x83: {  	_ =	shalt  }
0x84: {  	_ =	shalt  }
0x85: {  	_ =	shalt  }
0x86: {  	_ =	shalt  }
0x87: {  	_ =	shalt  }
.Lfunc_end0:
.L_simem_size_0:
called_computation_lowered:
.L_overlay_start_0:
0x88: {  	s2 =	sld [smem:$0x3FD9]  }
0x89: {  	s3 =	sld [smem:$0x3FFE];
	_ =	sdelay $0x1  }
0x8a: {  	s1 =	srdreg.scid  }
0x8b: {  	s0 =	sand.u32 $0x1, s1  }
0x8c: {  	s17 =	sshll.u32 s0, $0xA;
	s2 =	sadd.s32 s3, s2  }
0x8d: {  	s2 =	sadd.s32 s2, s17  }
0x8e: {  	[smem:$0x3FBD] =	sst s2  }
0x8f: {  	_ = 	snop  }
0x90: {  	s2 =	sld [smem:$0x3FC7]  }
0x91: {  	s18 =	sld [smem:$0x3FC5]  }
0x92: {  	s4 =	sld [smem:$0x3FD0];
	(tm) =	ssettm $0x1  }
0x93: {  	s5 =	sld [smem:$0x3FFB];
	_ =	sdelay $0x3  }
0x94: {  	_ =	strace s5  }
0x95: {  	s5 =	sld [smem:$0x3FFC];
	_ =	sdelay $0x3  }
0x96: {  	_ =	strace s5  }
0x97: {  	s5 =	sld [smem:$0x3FFD];
	_ =	sdelay $0x3  }
0x98: {  	_ =	strace s5  }
0x99: {  	_ =	strace $0x8FFFFFFF  }
0x9a: {  	s19 =	sld [smem:$0x3FDB];
	_ =	sdelay $0x1  }
0x9b: {  	s6 =	simm.s32 $_scs_section_size  }
0x9c: {  	s7 =	simm.s32 $_size__tile_overlayer_lowered;
	s8 =	simm.s32 $_tile_overlayer_lowered  }
0x9d: {  	s22 =	simm.s32 $0x1BFF;
	s21 =	sshll.u32 s8, $0x1;
	s5 =	sadd.s32 s6, s19  }
0x9e: {  	s9 =	simm.s32 $0x0;
	s20 =	sshll.u32 s7, $0x1;
	s7 =	sadd.s32 s21, s5  }
0x9f: {  	[timem:s9], [sflag:s22] =	dma.local [hbm:s7], s20  }
0xa0: {  	_ =	swait.ge [sflag:s22], s20  }
0xa1: {  	s6 =	ssub.s32 $0x0, s20;
	[sflag:s22] =	ssyncset.done $0x0  }
0xa2: {  	[sflag:s22] =	ssyncadd.s32 s6;
	_ =	sdelay $0x1  }
0xa3: {  	s23 =	simm.s32 $0x1B8B  }
0xa4: {  	_ =	swait.ge [sflag:s23], $0x1  }
0xa5: {  	[sflag:s23] =	ssyncset.done $0x0  }
0xa6: {  	s25 =	simm.s32 $0x1B8E;
	s24 =	sld [smem:$0x3FFE];
	[sflag:s23] =	ssyncadd.s32 $0xFFFFFFFF  }
0xa7: {  	s26 =	simm.s32 $execute0_lowered;
	[smem:$0x3FD2] =	sst s25  }
0xa8: {  	s7 =	sshll.u32 s26, $0x1;
	_ =	strace $0x80000046;
	[dreg:$0x1] =	wrdreg $0xFFFFFFFF  }
0xa9: {  	s28 =	simm.s32 $_size_execute0_lowered;
	s5 =	sadd.s32 s5, s7;
	[dreg:$0x0] =	wrdreg $0x0  }
0xaa: {  	s7 =	sshll.u32 s28, $0x1;
	[dreg:$0x2] =	wrdreg s5  }
0xab: {  	[dreg:$0x3] =	wrdreg s7  }
0xac: {  	[dreg:$0x4] =	wrdreg $0xC0  }
0xad: {  	_ =	task [dreg:s9], $0x5FFFF  }
0xae: {  	[dreg:$0x1] =	wrdreg $0xFFFFFFFF  }
0xaf: {  	[dreg:$0x0] =	wrdreg $0x60  }
0xb0: {  	[dreg:$0x2] =	wrdreg s2  }
0xb1: {  	[dreg:$0x3] =	wrdreg s18  }
0xb2: {  	[dreg:$0x4] =	wrdreg s4  }
0xb3: {  	[dreg:$0x5] =	wrdreg s24  }
0xb4: {  	[dreg:$0x6] =	wrdreg $0x9  }
0xb5: {  	_ =	task.clear_ibuf [dreg:s9], $0x7FFFF;
	_ =	strace $0x90000046  }
0xb6: {  	s29 =	simm.s32 $0x9;
	_ =	strace $0x80000048  }
0xb7: {  	_ =	swait.ge [sflag:s29], $0x1  }
0xb8: {  	[sflag:s29] =	ssyncadd.s32 $0xFFFFFFFF  }
0xb9: {  	_ =	strace $0x90000048  }
0xba: {  	_ =	sfence  }
0xbb: {  	s30 =	sld [smem:$0x0];
	_ =	sdelay $0x2  }
0xbc: {  	s31 =	sshll.u32 s1, $0xD;
	s1 =	sshrl.u32 s1, $0x2  }
0xbd: {  	s3 =	sand.u32 $0x4000, s31;
	s1 =	sadd.s32 s1, s30  }
0xbe: {  	s0 =	sor.u32 s3, s0;
	s1 =	sshll.u32 s1, $0x11  }
0xbf: {  	s0 =	sor.u32 s1, s0  }
0xc0: {  	s0 =	sadd.s32 $0x8F2B, s0  }
0xc1: {  	[sflag:s0] =	ssyncadd.remote.s32 $0x1  }
0xc2: {  	_ =	sfence.sel $0xFFFF  }
0xc3: {  	[dreg:$0x0] =	wrdreg $0xFFFFFFFF;
	(pc) =	sbr.abs _section_cstart, $3  }
0xc4: {  	[dreg:$0x1] =	wrdreg $0xFFFFFFFF  }
0xc5: {  	_ =	task.clear_ibuf [dreg:s9], $0x2FFFF;
	_ =	strace $0x9FFFFFFF  }
0xc6: {  	(tm) =	ssettm $0x7FFFFFFF  }
0xc7: {  	_ =	shalt  }
tec
execute0_lowered:
.L_overlay_start_1:
0x0: {  	(tag) =	ssettag $0x1  }
0x1: {  	s2 =	rddreg [dreg:$0x0]  }
0x2: {  	s3 =	rddreg [dreg:$0x1]  }
0x3: {  	s0 =	rddreg [dreg:$0x2]  }
0x4: {  	s5 =	rddreg [dreg:$0x3]  }
0x5: {  	s1 =	stileid.u32;
	s4 =	srdreg.scid  }
0x6: {  	s12 =	simm.s32 $0x880;
	s7 =	sand.u32 $0x1, s4;
	s4 =	simm.s32 $0x0  }
0x7: {  	s13 =	simm.s32 $0x1080;
	s14 =	simm.s32 $0x1880;
	[smem:$0x7FF] =	sst s4  }
0x8: {  	s16 =	simm.s32 $0x2080;
	_ =	strace $0x80000047;
	[dreg:$0x7] =	wrdreg s12  }
0x9: {  	s17 =	simm.s32 $0x2880;
	s18 =	simm.s32 $0x3080;
	[dreg:$0x8] =	wrdreg s13  }
0xa: {  	s19 =	simm.s32 $0x3880;
	s20 =	simm.s32 $0x4080;
	[dreg:$0x9] =	wrdreg s14  }
0xb: {  	s21 =	simm.s32 $0x4880;
	s23 =	simm.s32 $0x5880;
	[dreg:$0xa] =	wrdreg s16  }
0xc: {  	s24 =	simm.s32 $0x6080;
	s25 =	simm.s32 $0x6880;
	[dreg:$0xb] =	wrdreg s17  }
0xd: {  	s26 =	simm.s32 $0x7080;
	s31 =	simm.s32 $0x7880;
	[dreg:$0xc] =	wrdreg s18  }
0xe: {  	s28 =	simm.s32 $0x1;
	s29 =	simm.s32 $0x2;
	[dreg:$0xd] =	wrdreg s19  }
0xf: {  	s30 =	simm.s32 $0x0;
	s6 =	sshll.u32 s1, $0x12;
	[dreg:$0xe] =	wrdreg s20  }
0x10: {  	s9 =	sshll.u32 s1, $0xC;
	s5 =	sadd.s32 s6, s5;
	[dreg:$0xf] =	wrdreg s21  }
0x11: {  	s11 =	sshll.u32 s7, $0x11;
	s15 =	ssub.s32 $0x2, s7;
	[dreg:$0x11] =	wrdreg s23  }
0x12: {  	s10 =	sshll.u32 s7, $0xB;
	s5 =	sadd.s32 s11, s5;
	[dreg:$0x12] =	wrdreg s24  }
0x13: {  	s8 =	sshrl.u32 s15, $0x1;
	s11 =	simm.s32 $0x5080;
	[dreg:$0x13] =	wrdreg s25  }
0x14: {  	s9 =	sor.u32 s10, s9;
	[dreg:$0x14] =	wrdreg s26;
	s10 =	simm.s32 $0x80  }
0x15: {  	[dreg:$0x15] =	wrdreg s31;
	s12 =	simm.s32 $0x8880;
	s13 =	simm.s32 $0x9080  }
0x16: {  	s14 =	simm.s32 $0x9880;
	s16 =	simm.s32 $0xA880;
	s17 =	simm.s32 $0xB080  }
0x17: {  	s18 =	simm.s32 $0xB880;
	s19 =	simm.s32 $0xC080;
	s20 =	simm.s32 $0xC880  }
0x18: {  	s21 =	simm.s32 $0xD080;
	s23 =	simm.s32 $0xE080;
	s24 =	simm.s32 $0xE880  }
0x19: {  	s25 =	simm.s32 $0xF080;
	s26 =	simm.s32 $0xF880;
	s6 =	sadd.s32 $0x2000, s5  }
0x1a: {  	s5 =	sadd.s32 $0x402000, s5;
	s8 =	ssub.s32 s15, s8;
	[dreg:$0x10] =	wrdreg s11  }
0x1b: {  	s9 =	sshrl.u32 s9, $0x3;
	s11 =	simm.s32 $0x8080;
	[dreg:$0x5] =	wrdreg s6  }
0x1c: {  	v2 =	vlaneseq.u32;
	s15 =	simm.s32 $0xA080;
	[dreg:$0x6] =	wrdreg s5;
	s5 =	sadd.s32 $0x100, s2  }
0x1d: {  	vm0 =	vmmov $0xffff;
	v1 =	vshrl.u32 v2, $0x3;
	s6 =	sadd.s32 $0x100, s3;
	s22 =	smax.u32 s8, $0x1;
	s8 =	sadd.s32 s9, s0  }
0x1e: {  	v0 =	vand.u32 $0x7, v2;
	v2 =	vor.u32 $0x8, v2;
	v1 =	vmul.u32 $0x8, v1;
	s9 =	simm.s32 $0x3;
	[dreg:$0x16] =	wrdreg s22;
	s22 =	simm.s32 $0xD880  }
.LBB2_1:
0x1f: {  	s31 =	smov.u32 s8;
	s0 =	simm.s32 $0x0  }
.LBB2_2:
0x20: {  	[tilespmem:s4], [sflag:$0x3] =	stream.linear.gather [hbm4b:s31+s4], $0x40, $0x38;
	[tilespmem:$0x10080] =	vst v63  }
0x21: {  	_ =	swait.ge [sflag:s9], $0x40  }
0x22: {  	[sflag:s9] =	ssyncset.done $0x0  }
0x23: {  	[sflag:s9] =	ssyncadd.s32 $0xFFFFFFC0  }
0x24: {  	v3 =	vld [tilespmem:$0x0];
	_ =	sdelay $0x4  }
0x25: {  	v4 =	vshll.u32 v3, $0x2  }
0x26: {  	v3 =	vand.u32 $0x7, v3;
	v4 =	vand.u32 $0xFFFFFFE0, v4  }
0x27: {  	v3 =	vor.u32 v3, v4  }
0x28: {  	v4 =	vperm.xlane v3, v0;
	_ =	sdelay $0x1  }
0x29: {  	v4 =	vadd.s32 v1, v4;
	_ =	sdelay $0x1  }
0x2a: {  	v3 =	vperm.xlane v3, v2;
	_ =	sdelay $0x1  }
0x2b: {  	v3 =	vadd.s32 v1, v3  }
0x2c: {  	[tilespmem:s10], [sflag:$0x1] =	stream.indirect_vreg.gather [hbm4b:s2+s4], $0x80, v4, vm0, $0xb8;
	[tilespmem:$0x10080] =	vst v63  }
0x2d: {  	s1 =	rddreg [dreg:$0x7]  }
0x2e: {  	[tilespmem:s1], [sflag:$0x1] =	stream.indirect_vreg.gather [hbm4b:s5+s4], $0x80, v4, vm0, $0xb8;
	[tilespmem:$0x10080] =	vst v63  }
0x2f: {  	s7 =	rddreg [dreg:$0x8]  }
0x30: {  	[tilespmem:s7], [sflag:$0x1] =	stream.indirect_vreg.gather [hbm4b:s2+s4], $0x80, v3, vm0, $0xb8;
	[tilespmem:$0x10080] =	vst v63  }
0x31: {  	s1 =	rddreg [dreg:$0x9]  }
0x32: {  	[tilespmem:s1], [sflag:$0x1] =	stream.indirect_vreg.gather [hbm4b:s5+s4], $0x80, v3, vm0, $0xb8;
	[tilespmem:$0x10080] =	vst v63  }
0x33: {  	v3 =	vld [tilespmem:$0x10];
	_ =	sdelay $0x4  }
0x34: {  	v57 =	vshll.u32 v3, $0x2  }
0x35: {  	v3 =	vand.u32 $0x7, v3;
	v4 =	vand.u32 $0xFFFFFFE0, v57  }
0x36: {  	v3 =	vor.u32 v3, v4  }
0x37: {  	v4 =	vperm.xlane v3, v0;
	_ =	sdelay $0x1  }
0x38: {  	v4 =	vadd.s32 v1, v4;
	_ =	sdelay $0x1  }
0x39: {  	v3 =	vperm.xlane v3, v2;
	_ =	sdelay $0x1  }
0x3a: {  	s1 =	rddreg [dreg:$0xa];
	v3 =	vadd.s32 v1, v3  }
0x3b: {  	[tilespmem:s1], [sflag:$0x1] =	stream.indirect_vreg.gather [hbm4b:s2+s4], $0x80, v4, vm0, $0xb8;
	[tilespmem:$0x10080] =	vst v63  }
0x3c: {  	s7 =	rddreg [dreg:$0xb]  }
0x3d: {  	[tilespmem:s7], [sflag:$0x1] =	stream.indirect_vreg.gather [hbm4b:s5+s4], $0x80, v4, vm0, $0xb8;
	[tilespmem:$0x10080] =	vst v63  }
0x3e: {  	s1 =	rddreg [dreg:$0xc]  }
0x3f: {  	[tilespmem:s1], [sflag:$0x1] =	stream.indirect_vreg.gather [hbm4b:s2+s4], $0x80, v3, vm0, $0xb8;
	[tilespmem:$0x10080] =	vst v63  }
0x40: {  	s7 =	rddreg [dreg:$0xd]  }
0x41: {  	[tilespmem:s7], [sflag:$0x1] =	stream.indirect_vreg.gather [hbm4b:s5+s4], $0x80, v3, vm0, $0xb8;
	[tilespmem:$0x10080] =	vst v63  }
0x42: {  	v3 =	vld [tilespmem:$0x20];
	_ =	sdelay $0x4  }
0x43: {  	v58 =	vshll.u32 v3, $0x2  }
0x44: {  	v3 =	vand.u32 $0x7, v3;
	v4 =	vand.u32 $0xFFFFFFE0, v58  }
0x45: {  	v3 =	vor.u32 v3, v4  }
0x46: {  	v4 =	vperm.xlane v3, v0;
	_ =	sdelay $0x1  }
0x47: {  	v4 =	vadd.s32 v1, v4;
	_ =	sdelay $0x1  }
0x48: {  	v3 =	vperm.xlane v3, v2;
	_ =	sdelay $0x1  }
0x49: {  	s1 =	rddreg [dreg:$0xe];
	v3 =	vadd.s32 v1, v3  }
0x4a: {  	[tilespmem:s1], [sflag:$0x1] =	stream.indirect_vreg.gather [hbm4b:s2+s4], $0x80, v4, vm0, $0xb8;
	[tilespmem:$0x10080] =	vst v63  }
0x4b: {  	s7 =	rddreg [dreg:$0xf]  }
0x4c: {  	[tilespmem:s7], [sflag:$0x1] =	stream.indirect_vreg.gather [hbm4b:s5+s4], $0x80, v4, vm0, $0xb8;
	[tilespmem:$0x10080] =	vst v63  }
0x4d: {  	s1 =	rddreg [dreg:$0x10]  }
0x4e: {  	[tilespmem:s1], [sflag:$0x1] =	stream.indirect_vreg.gather [hbm4b:s2+s4], $0x80, v3, vm0, $0xb8;
	[tilespmem:$0x10080] =	vst v63  }
0x4f: {  	s7 =	rddreg [dreg:$0x11]  }
0x50: {  	[tilespmem:s7], [sflag:$0x1] =	stream.indirect_vreg.gather [hbm4b:s5+s4], $0x80, v3, vm0, $0xb8;
	[tilespmem:$0x10080] =	vst v63  }
0x51: {  	v3 =	vld [tilespmem:$0x30];
	_ =	sdelay $0x4  }
0x52: {  	v59 =	vshll.u32 v3, $0x2  }
0x53: {  	v3 =	vand.u32 $0x7, v3;
	v4 =	vand.u32 $0xFFFFFFE0, v59  }
0x54: {  	v3 =	vor.u32 v3, v4  }
0x55: {  	v4 =	vperm.xlane v3, v0;
	_ =	sdelay $0x1  }
0x56: {  	v4 =	vadd.s32 v1, v4;
	_ =	sdelay $0x1  }
0x57: {  	v3 =	vperm.xlane v3, v2;
	_ =	sdelay $0x1  }
0x58: {  	s1 =	rddreg [dreg:$0x12];
	v3 =	vadd.s32 v1, v3  }
0x59: {  	[tilespmem:s1], [sflag:$0x1] =	stream.indirect_vreg.gather [hbm4b:s2+s4], $0x80, v4, vm0, $0xb8;
	[tilespmem:$0x10080] =	vst v63  }
0x5a: {  	s7 =	rddreg [dreg:$0x13]  }
0x5b: {  	[tilespmem:s7], [sflag:$0x1] =	stream.indirect_vreg.gather [hbm4b:s5+s4], $0x80, v4, vm0, $0xb8;
	[tilespmem:$0x10080] =	vst v63  }
0x5c: {  	s1 =	rddreg [dreg:$0x14]  }
0x5d: {  	[tilespmem:s1], [sflag:$0x1] =	stream.indirect_vreg.gather [hbm4b:s2+s4], $0x80, v3, vm0, $0xb8;
	[tilespmem:$0x10080] =	vst v63  }
0x5e: {  	s7 =	rddreg [dreg:$0x15]  }
0x5f: {  	[tilespmem:s7], [sflag:$0x1] =	stream.indirect_vreg.gather [hbm4b:s5+s4], $0x80, v3, vm0, $0xb8;
	[tilespmem:$0x10080] =	vst v63  }
0x60: {  	v3 =	vld [tilespmem:$0x0];
	_ =	sdelay $0x4  }
0x61: {  	v60 =	vshll.u32 v3, $0x2  }
0x62: {  	v3 =	vand.u32 $0x7, v3;
	v4 =	vand.u32 $0xFFFFFFE0, v60  }
0x63: {  	v3 =	vor.u32 v3, v4  }
0x64: {  	v4 =	vperm.xlane v3, v0;
	_ =	sdelay $0x1  }
0x65: {  	v4 =	vadd.s32 v1, v4;
	_ =	sdelay $0x1  }
0x66: {  	v3 =	vperm.xlane v3, v2;
	_ =	sdelay $0x1  }
0x67: {  	v3 =	vadd.s32 v1, v3  }
0x68: {  	[tilespmem:s11], [sflag:$0x2] =	stream.indirect_vreg.gather [hbm4b:s3+s4], $0x80, v4, vm0, $0xb8;
	[tilespmem:$0x10080] =	vst v63  }
0x69: {  	_ = 	snop  }
0x6a: {  	[tilespmem:s12], [sflag:$0x2] =	stream.indirect_vreg.gather [hbm4b:s6+s4], $0x80, v4, vm0, $0xb8;
	[tilespmem:$0x10080] =	vst v63  }
0x6b: {  	_ = 	snop  }
0x6c: {  	[tilespmem:s13], [sflag:$0x2] =	stream.indirect_vreg.gather [hbm4b:s3+s4], $0x80, v3, vm0, $0xb8;
	[tilespmem:$0x10080] =	vst v63  }
0x6d: {  	_ = 	snop  }
0x6e: {  	[tilespmem:s14], [sflag:$0x2] =	stream.indirect_vreg.gather [hbm4b:s6+s4], $0x80, v3, vm0, $0xb8;
	[tilespmem:$0x10080] =	vst v63  }
0x6f: {  	v3 =	vld [tilespmem:$0x10];
	_ =	sdelay $0x4  }
0x70: {  	v61 =	vshll.u32 v3, $0x2  }
0x71: {  	v3 =	vand.u32 $0x7, v3;
	v4 =	vand.u32 $0xFFFFFFE0, v61  }
0x72: {  	v3 =	vor.u32 v3, v4  }
0x73: {  	v4 =	vperm.xlane v3, v0;
	_ =	sdelay $0x1  }
0x74: {  	v4 =	vadd.s32 v1, v4;
	_ =	sdelay $0x1  }
0x75: {  	v3 =	vperm.xlane v3, v2;
	_ =	sdelay $0x1  }
0x76: {  	v3 =	vadd.s32 v1, v3  }
0x77: {  	[tilespmem:s15], [sflag:$0x2] =	stream.indirect_vreg.gather [hbm4b:s3+s4], $0x80, v4, vm0, $0xb8;
	[tilespmem:$0x10080] =	vst v63  }
0x78: {  	_ = 	snop  }
0x79: {  	[tilespmem:s16], [sflag:$0x2] =	stream.indirect_vreg.gather [hbm4b:s6+s4], $0x80, v4, vm0, $0xb8;
	[tilespmem:$0x10080] =	vst v63  }
0x7a: {  	_ = 	snop  }
0x7b: {  	[tilespmem:s17], [sflag:$0x2] =	stream.indirect_vreg.gather [hbm4b:s3+s4], $0x80, v3, vm0, $0xb8;
	[tilespmem:$0x10080] =	vst v63  }
0x7c: {  	_ = 	snop  }
0x7d: {  	[tilespmem:s18], [sflag:$0x2] =	stream.indirect_vreg.gather [hbm4b:s6+s4], $0x80, v3, vm0, $0xb8;
	[tilespmem:$0x10080] =	vst v63  }
0x7e: {  	v3 =	vld [tilespmem:$0x20];
	_ =	sdelay $0x4  }
0x7f: {  	v62 =	vshll.u32 v3, $0x2  }
0x80: {  	v3 =	vand.u32 $0x7, v3;
	v4 =	vand.u32 $0xFFFFFFE0, v62  }
0x81: {  	v3 =	vor.u32 v3, v4  }
0x82: {  	v4 =	vperm.xlane v3, v0;
	_ =	sdelay $0x1  }
0x83: {  	v4 =	vadd.s32 v1, v4;
	_ =	sdelay $0x1  }
0x84: {  	v3 =	vperm.xlane v3, v2;
	_ =	sdelay $0x1  }
0x85: {  	v3 =	vadd.s32 v1, v3  }
0x86: {  	[tilespmem:s19], [sflag:$0x2] =	stream.indirect_vreg.gather [hbm4b:s3+s4], $0x80, v4, vm0, $0xb8;
	[tilespmem:$0x10080] =	vst v63  }
0x87: {  	_ = 	snop  }
0x88: {  	[tilespmem:s20], [sflag:$0x2] =	stream.indirect_vreg.gather [hbm4b:s6+s4], $0x80, v4, vm0, $0xb8;
	[tilespmem:$0x10080] =	vst v63  }
0x89: {  	_ = 	snop  }
0x8a: {  	[tilespmem:s21], [sflag:$0x2] =	stream.indirect_vreg.gather [hbm4b:s3+s4], $0x80, v3, vm0, $0xb8;
	[tilespmem:$0x10080] =	vst v63  }
0x8b: {  	_ = 	snop  }
0x8c: {  	[tilespmem:s22], [sflag:$0x2] =	stream.indirect_vreg.gather [hbm4b:s6+s4], $0x80, v3, vm0, $0xb8;
	[tilespmem:$0x10080] =	vst v63  }
0x8d: {  	v3 =	vld [tilespmem:$0x30];
	_ =	sdelay $0x4  }
0x8e: {  	v63 =	vshll.u32 v3, $0x2  }
0x8f: {  	v3 =	vand.u32 $0x7, v3;
	v4 =	vand.u32 $0xFFFFFFE0, v63  }
0x90: {  	v3 =	vor.u32 v3, v4  }
0x91: {  	v4 =	vperm.xlane v3, v0;
	_ =	sdelay $0x1  }
0x92: {  	v4 =	vadd.s32 v1, v4;
	_ =	sdelay $0x1  }
0x93: {  	v3 =	vperm.xlane v3, v2;
	_ =	sdelay $0x1  }
0x94: {  	v3 =	vadd.s32 v1, v3  }
0x95: {  	[tilespmem:s23], [sflag:$0x2] =	stream.indirect_vreg.gather [hbm4b:s3+s4], $0x80, v4, vm0, $0xb8;
	[tilespmem:$0x10080] =	vst v63  }
0x96: {  	_ = 	snop  }
0x97: {  	[tilespmem:s24], [sflag:$0x2] =	stream.indirect_vreg.gather [hbm4b:s6+s4], $0x80, v4, vm0, $0xb8;
	[tilespmem:$0x10080] =	vst v63  }
0x98: {  	_ = 	snop  }
0x99: {  	[tilespmem:s25], [sflag:$0x2] =	stream.indirect_vreg.gather [hbm4b:s3+s4], $0x80, v3, vm0, $0xb8;
	[tilespmem:$0x10080] =	vst v63  }
0x9a: {  	_ = 	snop  }
0x9b: {  	[tilespmem:s26], [sflag:$0x2] =	stream.indirect_vreg.gather [hbm4b:s6+s4], $0x80, v3, vm0, $0xb8;
	[tilespmem:$0x10080] =	vst v63  }
0x9c: {  	_ =	swait.ge [sflag:s28], $0x8000  }
0x9d: {  	s7 =	rddreg [dreg:$0x5];
	[sflag:s28] =	ssyncset.done $0x0  }
0x9e: {  	[sflag:s28] =	ssyncadd.s32 $0xFFFF8000;
	s1 =	sadd.s32 s0, s7  }
0x9f: {  	[hbm4b:s1+s4] =	stream.linear.scatter [tilespmem:s10], [sflag:$0x3], $0x8000, $0x38;
	[tilespmem:$0x10080] =	vst v63  }
0xa0: {  	_ =	swait.ge [sflag:s9], $0x8000  }
0xa1: {  	[sflag:s9] =	ssyncset.done $0x0  }
0xa2: {  	[sflag:s9] =	ssyncadd.s32 $0xFFFF8000  }
0xa3: {  	_ =	swait.ge [sflag:s29], $0x8000  }
0xa4: {  	p0 =	sne.s32 s0, $0x1F000;
	s7 =	rddreg [dreg:$0x6];
	[sflag:s29] =	ssyncset.done $0x0  }
.Ltmp0:
0xa5: {  	[sflag:s29] =	ssyncadd.s32 $0xFFFF8000;
	s1 =	sadd.s32 s0, s7;
	(pc) =	sbr.rel @p0 .LBB2_2-.Ltmp0, $4  }
0xa6: {  	[hbm4b:s1+s4] =	stream.linear.scatter [tilespmem:s11], [sflag:$0x3], $0x8000, $0x38;
	[tilespmem:$0x10080] =	vst v63  }
0xa7: {  	_ =	swait.ge [sflag:s9], $0x8000  }
0xa8: {  	[sflag:s9] =	ssyncset.done $0x0  }
0xa9: {  	s31 =	sadd.s32 $0x8, s31;
	s0 =	sadd.s32 $0x1000, s0;
	[sflag:s9] =	ssyncadd.s32 $0xFFFF8000  }
0xaa: {  	s30 =	sadd.s32 $0x1, s30;
	s0 =	rddreg [dreg:$0x16]  }
0xab: {  	p0 =	sne.s32 s30, s0  }
.Ltmp1:
0xac: {  	_ = 	snop;
	(pc) =	sbr.rel @p0 .LBB2_1-.Ltmp1, $1  }
0xad: {  	_ =	sdelay $0x3  }
0xae: {  	_ =	sfence.sel $0x180000  }
0xaf: {  	[bflag:$0x0] =	sbarrier.arrive $0xFFFF  }
0xb0: {  	_ =	strace $0x90000047  }
0xb1: {  	s0 =	stileid.u32;
	[bflag:$0x2] =	sbarrier.arrive $0xFFFF  }
0xb2: {  	p0 =	sne.s32 s0, $0x0;
	s0 =	rddreg [dreg:$0x4]  }
0xb3: {  	s0 =	sadd.s32 @!p0 $0x100000, s0  }
0xb4: {  	[sflag:s0] =	ssyncadd.tile.s32 @!p0 $0x1;
	_ =	shalt  }
.Lfunc_end2:
_tile_overlayer_lowered:
.L_overlay_start_2:
0xb5: {  	(tag) =	ssettag $0x2  }
0xb6: {  	s0 =	rddreg [dreg:$0x0];
	s2 =	stileid.u32  }
0xb7: {  	s1 =	rddreg [dreg:$0x1];
	p0 =	sne.s32 s2, $0x0  }
0xb8: {  	s3 =	rddreg [dreg:$0x2];
	[bflag:$0x3] =	sbarrier.arrive $0xFFFF;
	s2 =	simm.s32 @!p0 $0x1C03  }
0xb9: {  	[timem:s3], [sflag:s2] =	dma.local @!p0 [hbm:s0], s1  }
0xba: {  	s0 =	simm.s32 @!p0 $0x3  }
0xbb: {  	_ =	swait.ge @!p0 [sflag:s0], s1  }
0xbc: {  	s1 =	ssub.s32 @!p0 $0x0, s1;
	[sflag:s0] =	ssyncset.done @!p0 $0x0  }
0xbd: {  	[sflag:s0] =	ssyncadd.s32 @!p0 s1  }
0xbe: {  	[bflag:$0x3] =	sbarrier.arrive $0xFFFF  }
0xbf: {  	_ =	shalt  }

</sc_bundles>
